<compile_context>
chip_gen: v7x
topology: tpu7x:2x2x1
jax: 0.10.2.dev20260603
libtpu: 0.0.44.dev20260713+nightly
codegen_flags: <defaults>
</compile_context>

<pallas_src>
import math

import jax
import jax.numpy as jnp
from jax import lax
from jax.experimental import pallas as pl
from jax.experimental.pallas import tpu as pltpu

_PRE = 2048
_POST = 512
_THRESH = 0.85
_NBIN = 12
_NHEAD = 12
_BIN = 0.5
_SCOPE = 3.0


def _decode_body(reg_ref, xyz_ref, ms_ref, out_ref):
    n = reg_ref.shape[1]
    apc = 2.0 * math.pi / _NHEAD

    reg = jnp.transpose(reg_ref[0], (1, 0))
    xyz = xyz_ref[0]
    ms0 = ms_ref[0:1, :]
    ms1 = ms_ref[1:2, :]
    ms2 = ms_ref[2:3, :]
    iot = lax.broadcasted_iota(jnp.int32, (_NBIN, n), 0)

    sx = reg[0:_NBIN, :]
    mx = jnp.max(sx, axis=0, keepdims=True)
    xbin = jnp.min(jnp.where(sx == mx, iot, _NBIN), axis=0, keepdims=True)
    xres = jnp.sum(
        jnp.where(iot == xbin, reg[2 * _NBIN:3 * _NBIN, :], 0.0),
        axis=0, keepdims=True) * _BIN
    posx = xbin.astype(jnp.float32) * _BIN + (_BIN * 0.5 - _SCOPE) + xres
    posx = posx + xyz[0:1, :]

    sz = reg[_NBIN:2 * _NBIN, :]
    mz = jnp.max(sz, axis=0, keepdims=True)
    zbin = jnp.min(jnp.where(sz == mz, iot, _NBIN), axis=0, keepdims=True)
    zres = jnp.sum(
        jnp.where(iot == zbin, reg[3 * _NBIN:4 * _NBIN, :], 0.0),
        axis=0, keepdims=True) * _BIN
    posz = zbin.astype(jnp.float32) * _BIN + (_BIN * 0.5 - _SCOPE) + zres
    posz = posz + xyz[2:3, :]

    posy = xyz[1:2, :] + reg[4 * _NBIN:4 * _NBIN + 1, :]

    hs = 4 * _NBIN + 1
    sr = reg[hs:hs + _NHEAD, :]
    mr = jnp.max(sr, axis=0, keepdims=True)
    rybin = jnp.min(jnp.where(sr == mr, iot, _NHEAD), axis=0, keepdims=True)
    ryres = jnp.sum(
        jnp.where(iot == rybin, reg[hs + _NHEAD:hs + 2 * _NHEAD, :], 0.0),
        axis=0, keepdims=True)
    ry = jnp.mod(rybin.astype(jnp.float32) * apc + ryres * (apc * 0.5),
                 2.0 * math.pi)
    ry = jnp.where(ry > math.pi, ry - 2.0 * math.pi, ry)

    hws = hs + 2 * _NHEAD
    h = reg[hws:hws + 1, :] * ms0 + ms0
    w = reg[hws + 1:hws + 2, :] * ms1 + ms1
    l = reg[hws + 2:hws + 3, :] * ms2 + ms2
    posy = posy + h * 0.5

    out_ref[0] = jnp.concatenate(
        [posx, posy, posz, h, w, l, ry, jnp.zeros_like(ry)], axis=0)


def _nms_body(g_ref, keep_ref):
    b = g_ref.shape[0]
    n = g_ref.shape[2]

    posx = g_ref[:, 0, :]
    posz = g_ref[:, 2, :]
    hw = g_ref[:, 4, :] * 0.5
    hl = g_ref[:, 5, :] * 0.5
    x1m = posx - hl
    y1m = posz - hw
    x2m = posx + hl
    y2m = posz + hw
    arm = (x2m - x1m) * (y2m - y1m)
    li = lax.broadcasted_iota(jnp.int32, (b, n), 1)

    def cond(carry):
        i, keep_f = carry
        prefix = jnp.sum(keep_f * (li <= i).astype(jnp.float32), axis=1)
        return (i < n) & jnp.any(prefix < float(_POST))

    def body(carry):
        i, keep_f = carry
        sel = li == i
        xi = jnp.sum(jnp.where(sel, x1m, 0.0), axis=1, keepdims=True)
        yi = jnp.sum(jnp.where(sel, y1m, 0.0), axis=1, keepdims=True)
        x2i = jnp.sum(jnp.where(sel, x2m, 0.0), axis=1, keepdims=True)
        y2i = jnp.sum(jnp.where(sel, y2m, 0.0), axis=1, keepdims=True)
        ai = jnp.sum(jnp.where(sel, arm, 0.0), axis=1, keepdims=True)
        ki = jnp.max(jnp.where(sel, keep_f, 0.0), axis=1, keepdims=True)
        xx1 = jnp.maximum(x1m, xi)
        yy1 = jnp.maximum(y1m, yi)
        xx2 = jnp.minimum(x2m, x2i)
        yy2 = jnp.minimum(y2m, y2i)
        inter = jnp.maximum(xx2 - xx1, 0.0) * jnp.maximum(yy2 - yy1, 0.0)
        iou = inter / (ai + arm - inter + 1e-8)
        sup = (iou > _THRESH) & (li > i) & (ki > 0.5)
        return i + 1, jnp.where(sup, 0.0, keep_f)

    _, keep_f = lax.while_loop(
        cond, body, (jnp.int32(0), jnp.ones((b, n), jnp.float32)))
    keep_ref[:] = keep_f


def kernel(rpn_scores, rpn_reg, xyz, mean_size):
    bsz, n = rpn_scores.shape
    xyz_t = xyz.transpose(0, 2, 1)
    ms_b = jnp.broadcast_to(mean_size[:, None], (3, n))

    fields = pl.pallas_call(
        _decode_body,
        grid=(bsz,),
        in_specs=[
            pl.BlockSpec((1, n, rpn_reg.shape[2]), lambda b: (b, 0, 0)),
            pl.BlockSpec((1, 3, n), lambda b: (b, 0, 0)),
            pl.BlockSpec((3, n), lambda b: (0, 0)),
        ],
        out_specs=pl.BlockSpec((1, 8, n), lambda b: (b, 0, 0)),
        out_shape=jax.ShapeDtypeStruct((bsz, 8, n), jnp.float32),
    )(rpn_reg, xyz_t, ms_b)

    scores, idx = lax.top_k(rpn_scores, _PRE)
    g = jnp.take_along_axis(fields, idx[:, None, :], axis=2)

    keep_f = pl.pallas_call(
        _nms_body,
        out_shape=jax.ShapeDtypeStruct((bsz, _PRE), jnp.float32),
    )(g)

    boxes = g.transpose(0, 2, 1)[..., :7]
    keep_b = keep_f > 0.5
    sel = jnp.argsort((~keep_b).astype(jnp.int32), axis=1, stable=True)
    sel = sel[:, :_POST]
    nkeep = jnp.sum(keep_b, axis=1)
    valid = jnp.arange(_POST)[None, :] < nkeep[:, None]
    out_boxes = jnp.where(valid[..., None],
                          jnp.take_along_axis(boxes, sel[..., None], axis=1),
                          0.0)
    out_scores = jnp.where(valid, jnp.take_along_axis(scores, sel, axis=1),
                           0.0)
    return out_boxes, out_scores

# --- scband reference (transcript-rebuilt; emitter-appended) ---
"""Pipeline reference for scband-proposal-layer-21715354649161 (READ-ONLY COPY).

The authoritative reference and input builder live on the scoring server;
editing this copy changes nothing except your own understanding.
"""

import jax, jax.numpy as jnp
import numpy as np

LOC_SCOPE = 3.0
LOC_BIN_SIZE = 0.5
NUM_HEAD_BIN = 12
RPN_PRE_NMS_TOP_N = 2048
RPN_POST_NMS_TOP_N = 512
RPN_NMS_THRESH = 0.85
B, N, C = 8, 20000, 76


def setup_inputs(seed: int = 0):
    key = jax.random.key(seed)
    k1, k2, k3 = jax.random.split(key, 3)
    rpn_scores = jax.random.normal(k1, (B, N), dtype=jnp.float32)
    rpn_reg = jax.random.normal(k2, (B, N, C), dtype=jnp.float32)
    xyz = jax.random.normal(k3, (B, N, 3), dtype=jnp.float32) * 20.0
    mean_size = jnp.array([1.52563191, 1.62856739, 3.8831164], dtype=jnp.float32)
    return {"rpn_scores": rpn_scores, "rpn_reg": rpn_reg, "xyz": xyz, "mean_size": mean_size}


def decode_bbox_target(roi_box3d, pred_reg, anchor_size):
    p = int(LOC_SCOPE / LOC_BIN_SIZE) * 2
    x_bin = jnp.argmax(pred_reg[:, 0:p], axis=1)
    z_bin = jnp.argmax(pred_reg[:, p:2 * p], axis=1)
    pos_x = x_bin.astype(jnp.float32) * LOC_BIN_SIZE + LOC_BIN_SIZE / 2 - LOC_SCOPE
    pos_z = z_bin.astype(jnp.float32) * LOC_BIN_SIZE + LOC_BIN_SIZE / 2 - LOC_SCOPE
    x_res = jnp.take_along_axis(pred_reg[:, 2 * p:3 * p], x_bin[:, None], axis=1)[:, 0] * LOC_BIN_SIZE
    z_res = jnp.take_along_axis(pred_reg[:, 3 * p:4 * p], z_bin[:, None], axis=1)[:, 0] * LOC_BIN_SIZE
    pos_x = pos_x + x_res
    pos_z = pos_z + z_res
    start = 4 * p
    pos_y = roi_box3d[:, 1] + pred_reg[:, start]
    start += 1
    ry_bin = jnp.argmax(pred_reg[:, start:start + NUM_HEAD_BIN], axis=1)
    ry_res_norm = jnp.take_along_axis(pred_reg[:, start + NUM_HEAD_BIN:start + 2 * NUM_HEAD_BIN], ry_bin[:, None], axis=1)[:, 0]
    apc = 2 * np.pi / NUM_HEAD_BIN
    ry = (ry_bin.astype(jnp.float32) * apc + ry_res_norm * (apc / 2)) % (2 * np.pi)
    ry = jnp.where(ry > np.pi, ry - 2 * np.pi, ry)
    start += 2 * NUM_HEAD_BIN
    hwl = pred_reg[:, start:start + 3] * anchor_size + anchor_size
    assert start + 3 == pred_reg.shape[1]
    ret = jnp.concatenate([pos_x[:, None], pos_y[:, None], pos_z[:, None], hwl, ry[:, None]], axis=1)
    ret = ret.at[:, 0].add(roi_box3d[:, 0])
    ret = ret.at[:, 2].add(roi_box3d[:, 2])
    return ret


def boxes3d_to_bev(boxes3d):
    cu, cv = boxes3d[:, 0], boxes3d[:, 2]
    half_l, half_w = boxes3d[:, 5] / 2.0, boxes3d[:, 4] / 2.0
    return jnp.stack([cu - half_l, cv - half_w, cu + half_l, cv + half_w], axis=1)


def nms_bev(bev, thresh):
    x1, y1, x2, y2 = bev[:, 0], bev[:, 1], bev[:, 2], bev[:, 3]
    area = (x2 - x1) * (y2 - y1)
    xx1 = jnp.maximum(x1[:, None], x1[None, :])
    yy1 = jnp.maximum(y1[:, None], y1[None, :])
    xx2 = jnp.minimum(x2[:, None], x2[None, :])
    yy2 = jnp.minimum(y2[:, None], y2[None, :])
    inter = jnp.clip(xx2 - xx1, 0.0) * jnp.clip(yy2 - yy1, 0.0)
    iou = inter / (area[:, None] + area[None, :] - inter + 1e-8)
    iou = jax.lax.stop_gradient(iou)
    M = bev.shape[0]
    idxs = jnp.arange(M)
    def body(i, keep):
        sup = (iou[i] > thresh) & (idxs > i) & keep[i]
        return keep & (~sup)
    return jax.lax.fori_loop(0, M, body, jnp.ones((M,), dtype=bool))


def reference(rpn_scores, rpn_reg, xyz, mean_size):
    batch_size, n = rpn_scores.shape
    proposals = decode_bbox_target(xyz.reshape(-1, 3), rpn_reg.reshape(-1, rpn_reg.shape[-1]), mean_size)
    proposals = proposals.at[:, 1].add(proposals[:, 3] / 2.0)
    proposals = proposals.reshape(batch_size, n, 7)
    out_boxes, out_scores = [], []
    for k in range(batch_size):
        order = jnp.argsort(-rpn_scores[k])
        sc = rpn_scores[k][order][:RPN_PRE_NMS_TOP_N]
        pr = proposals[k][order][:RPN_PRE_NMS_TOP_N]
        bev = boxes3d_to_bev(pr)
        keep = nms_bev(bev, RPN_NMS_THRESH)
        sel = jnp.argsort((~keep).astype(jnp.int32))[:RPN_POST_NMS_TOP_N]
        valid = jnp.arange(RPN_POST_NMS_TOP_N) < jnp.sum(keep)
        out_boxes.append(jnp.where(valid[:, None], pr[sel], 0.0))
        out_scores.append(jnp.where(valid, sc[sel], 0.0))
    return jnp.stack(out_boxes, axis=0), jnp.stack(out_scores, axis=0)

if __name__ == "__main__":
    import jax
    _d = setup_inputs()
    print(jax.jit(kernel)(*tuple(_d.values())))

</pallas_src>

<mosaic_0001>
module attributes {stable_mosaic.version = 14 : i64} {
  func.func @_decode_body(%arg0: i32, %arg1: memref<1x20000x76xf32, #tpu.memory_space<vmem>>, %arg2: memref<1x3x20000xf32, #tpu.memory_space<vmem>>, %arg3: memref<3x20000xf32, #tpu.memory_space<vmem>>, %arg4: memref<1x8x20000xf32, #tpu.memory_space<vmem>>) attributes {dimension_semantics = [#tpu.dimension_semantics<arbitrary>], iteration_bounds = array<i64: 8>, scalar_prefetch = 0 : i64, scratch_operands = 0 : i64, tpu.core_type = #tpu.core_type<tc>, window_params = [{transform_indices = @transform_0, window_bounds = array<i64: 1, 20000, 76>}, {transform_indices = @transform_1, window_bounds = array<i64: 1, 3, 20000>}, {pipeline_mode = #tpu.pipeline_mode<synchronous>, transform_indices = @transform_2, window_bounds = array<i64: 3, 20000>}, {transform_indices = @transform_3, window_bounds = array<i64: 1, 8, 20000>}]} {
    %get3A = arith.constant 0 : index
    %get3A_0 = arith.constant 0 : index
    %get3A_1 = arith.constant 0 : index
    %get3A_2 = vector.load %arg1[%get3A, %get3A_0, %get3A_1] : memref<1x20000x76xf32, #tpu.memory_space<vmem>>, vector<1x20000x76xf32>
    %get3A_3 = vector.shape_cast %get3A_2 : vector<1x20000x76xf32> to vector<20000x76xf32>
    %transpose3A = tpu.transpose %get3A_3, [1, 0] : vector<20000x76xf32> -> vector<76x20000xf32>
    %get3A_4 = arith.constant 0 : index
    %get3A_5 = arith.constant 0 : index
    %get3A_6 = arith.constant 0 : index
    %get3A_7 = vector.load %arg2[%get3A_4, %get3A_5, %get3A_6] : memref<1x3x20000xf32, #tpu.memory_space<vmem>>, vector<1x3x20000xf32>
    %get3A_8 = vector.shape_cast %get3A_7 : vector<1x3x20000xf32> to vector<3x20000xf32>
    %get3A_9 = arith.constant 0 : index
    %get3A_10 = arith.constant 0 : index
    %get3A_11 = vector.load %arg3[%get3A_9, %get3A_10] : memref<3x20000xf32, #tpu.memory_space<vmem>>, vector<1x20000xf32>
    %get3A_12 = arith.constant 1 : index
    %get3A_13 = arith.constant 0 : index
    %get3A_14 = vector.load %arg3[%get3A_12, %get3A_13] : memref<3x20000xf32, #tpu.memory_space<vmem>>, vector<1x20000xf32>
    %get3A_15 = arith.constant 2 : index
    %get3A_16 = arith.constant 0 : index
    %get3A_17 = vector.load %arg3[%get3A_15, %get3A_16] : memref<3x20000xf32, #tpu.memory_space<vmem>>, vector<1x20000xf32>
    %iota3A = tpu.iota {dimensions = array<i32: 0>} : vector<12x20000xi32>
    %slice3A = vector.extract_strided_slice %transpose3A {offsets = [0, 0], sizes = [12, 20000], strides = [1, 1]} : vector<76x20000xf32> to vector<12x20000xf32>
    %reduce_max3A = arith.constant dense<0xFF800000> : vector<20000xf32>
    %reduce_max3A_18 = vector.multi_reduction <maximumf>, %slice3A, %reduce_max3A [0] : vector<12x20000xf32> to vector<20000xf32>
    %broadcast_in_dim3A = vector.shape_cast %reduce_max3A_18 : vector<20000xf32> to vector<1x20000xf32>
    %eq3A = vector.broadcast %broadcast_in_dim3A : vector<1x20000xf32> to vector<12x20000xf32>
    %eq3A_19 = arith.cmpf oeq, %slice3A, %eq3A : vector<12x20000xf32>
    %jit3A = arith.constant 12 : i32
    %broadcast_in_dim3A_20 = vector.broadcast %jit3A : i32 to vector<12x20000xi32>
    %select_n3A = arith.select %eq3A_19, %iota3A, %broadcast_in_dim3A_20 : vector<12x20000xi1>, vector<12x20000xi32>
    %reduce_min3A = arith.constant dense<2147483647> : vector<20000xi32>
    %reduce_min3A_21 = vector.multi_reduction <minsi>, %select_n3A, %reduce_min3A [0] : vector<12x20000xi32> to vector<20000xi32>
    %broadcast_in_dim3A_22 = vector.shape_cast %reduce_min3A_21 : vector<20000xi32> to vector<1x20000xi32>
    %eq3A_23 = vector.broadcast %broadcast_in_dim3A_22 : vector<1x20000xi32> to vector<12x20000xi32>
    %eq3A_24 = arith.cmpi eq, %iota3A, %eq3A_23 : vector<12x20000xi32>
    %slice3A_25 = vector.extract_strided_slice %transpose3A {offsets = [24, 0], sizes = [12, 20000], strides = [1, 1]} : vector<76x20000xf32> to vector<12x20000xf32>
    %jit3A_26 = arith.constant 0.000000e+00 : f32
    %broadcast_in_dim3A_27 = vector.broadcast %jit3A_26 : f32 to vector<12x20000xf32>
    %select_n3A_28 = arith.select %eq3A_24, %slice3A_25, %broadcast_in_dim3A_27 : vector<12x20000xi1>, vector<12x20000xf32>
    %reduce_sum3A = arith.constant dense<0.000000e+00> : vector<20000xf32>
    %reduce_sum3A_29 = vector.multi_reduction <add>, %select_n3A_28, %reduce_sum3A [0] : vector<12x20000xf32> to vector<20000xf32>
    %broadcast_in_dim3A_30 = vector.shape_cast %reduce_sum3A_29 : vector<20000xf32> to vector<1x20000xf32>
    %mul3A = arith.constant 5.000000e-01 : f32
    %mul3A_31 = vector.broadcast %mul3A : f32 to vector<1x20000xf32>
    %mul3A_32 = arith.mulf %broadcast_in_dim3A_30, %mul3A_31 : vector<1x20000xf32>
    %convert_element_type3A = arith.sitofp %broadcast_in_dim3A_22 : vector<1x20000xi32> to vector<1x20000xf32>
    %mul3A_33 = arith.constant 5.000000e-01 : f32
    %mul3A_34 = vector.broadcast %mul3A_33 : f32 to vector<1x20000xf32>
    %mul3A_35 = arith.mulf %convert_element_type3A, %mul3A_34 : vector<1x20000xf32>
    %add3A = arith.constant -2.750000e+00 : f32
    %add3A_36 = vector.broadcast %add3A : f32 to vector<1x20000xf32>
    %add3A_37 = arith.addf %mul3A_35, %add3A_36 : vector<1x20000xf32>
    %add3A_38 = arith.addf %add3A_37, %mul3A_32 : vector<1x20000xf32>
    %slice3A_39 = vector.extract_strided_slice %get3A_8 {offsets = [0, 0], sizes = [1, 20000], strides = [1, 1]} : vector<3x20000xf32> to vector<1x20000xf32>
    %add3A_40 = arith.addf %add3A_38, %slice3A_39 : vector<1x20000xf32>
    %slice3A_41 = vector.extract_strided_slice %transpose3A {offsets = [12, 0], sizes = [12, 20000], strides = [1, 1]} : vector<76x20000xf32> to vector<12x20000xf32>
    %reduce_max3A_42 = arith.constant dense<0xFF800000> : vector<20000xf32>
    %reduce_max3A_43 = vector.multi_reduction <maximumf>, %slice3A_41, %reduce_max3A_42 [0] : vector<12x20000xf32> to vector<20000xf32>
    %broadcast_in_dim3A_44 = vector.shape_cast %reduce_max3A_43 : vector<20000xf32> to vector<1x20000xf32>
    %eq3A_45 = vector.broadcast %broadcast_in_dim3A_44 : vector<1x20000xf32> to vector<12x20000xf32>
    %eq3A_46 = arith.cmpf oeq, %slice3A_41, %eq3A_45 : vector<12x20000xf32>
    %jit3A_47 = arith.constant 12 : i32
    %broadcast_in_dim3A_48 = vector.broadcast %jit3A_47 : i32 to vector<12x20000xi32>
    %select_n3A_49 = arith.select %eq3A_46, %iota3A, %broadcast_in_dim3A_48 : vector<12x20000xi1>, vector<12x20000xi32>
    %reduce_min3A_50 = arith.constant dense<2147483647> : vector<20000xi32>
    %reduce_min3A_51 = vector.multi_reduction <minsi>, %select_n3A_49, %reduce_min3A_50 [0] : vector<12x20000xi32> to vector<20000xi32>
    %broadcast_in_dim3A_52 = vector.shape_cast %reduce_min3A_51 : vector<20000xi32> to vector<1x20000xi32>
    %eq3A_53 = vector.broadcast %broadcast_in_dim3A_52 : vector<1x20000xi32> to vector<12x20000xi32>
    %eq3A_54 = arith.cmpi eq, %iota3A, %eq3A_53 : vector<12x20000xi32>
    %slice3A_55 = vector.extract_strided_slice %transpose3A {offsets = [36, 0], sizes = [12, 20000], strides = [1, 1]} : vector<76x20000xf32> to vector<12x20000xf32>
    %jit3A_56 = arith.constant 0.000000e+00 : f32
    %broadcast_in_dim3A_57 = vector.broadcast %jit3A_56 : f32 to vector<12x20000xf32>
    %select_n3A_58 = arith.select %eq3A_54, %slice3A_55, %broadcast_in_dim3A_57 : vector<12x20000xi1>, vector<12x20000xf32>
    %reduce_sum3A_59 = arith.constant dense<0.000000e+00> : vector<20000xf32>
    %reduce_sum3A_60 = vector.multi_reduction <add>, %select_n3A_58, %reduce_sum3A_59 [0] : vector<12x20000xf32> to vector<20000xf32>
    %broadcast_in_dim3A_61 = vector.shape_cast %reduce_sum3A_60 : vector<20000xf32> to vector<1x20000xf32>
    %mul3A_62 = arith.constant 5.000000e-01 : f32
    %mul3A_63 = vector.broadcast %mul3A_62 : f32 to vector<1x20000xf32>
    %mul3A_64 = arith.mulf %broadcast_in_dim3A_61, %mul3A_63 : vector<1x20000xf32>
    %convert_element_type3A_65 = arith.sitofp %broadcast_in_dim3A_52 : vector<1x20000xi32> to vector<1x20000xf32>
    %mul3A_66 = arith.constant 5.000000e-01 : f32
    %mul3A_67 = vector.broadcast %mul3A_66 : f32 to vector<1x20000xf32>
    %mul3A_68 = arith.mulf %convert_element_type3A_65, %mul3A_67 : vector<1x20000xf32>
    %add3A_69 = arith.constant -2.750000e+00 : f32
    %add3A_70 = vector.broadcast %add3A_69 : f32 to vector<1x20000xf32>
    %add3A_71 = arith.addf %mul3A_68, %add3A_70 : vector<1x20000xf32>
    %add3A_72 = arith.addf %add3A_71, %mul3A_64 : vector<1x20000xf32>
    %slice3A_73 = vector.extract_strided_slice %get3A_8 {offsets = [2, 0], sizes = [1, 20000], strides = [1, 1]} : vector<3x20000xf32> to vector<1x20000xf32>
    %add3A_74 = arith.addf %add3A_72, %slice3A_73 : vector<1x20000xf32>
    %slice3A_75 = vector.extract_strided_slice %get3A_8 {offsets = [1, 0], sizes = [1, 20000], strides = [1, 1]} : vector<3x20000xf32> to vector<1x20000xf32>
    %slice3A_76 = vector.extract_strided_slice %transpose3A {offsets = [48, 0], sizes = [1, 20000], strides = [1, 1]} : vector<76x20000xf32> to vector<1x20000xf32>
    %add3A_77 = arith.addf %slice3A_75, %slice3A_76 : vector<1x20000xf32>
    %slice3A_78 = vector.extract_strided_slice %transpose3A {offsets = [49, 0], sizes = [12, 20000], strides = [1, 1]} : vector<76x20000xf32> to vector<12x20000xf32>
    %reduce_max3A_79 = arith.constant dense<0xFF800000> : vector<20000xf32>
    %reduce_max3A_80 = vector.multi_reduction <maximumf>, %slice3A_78, %reduce_max3A_79 [0] : vector<12x20000xf32> to vector<20000xf32>
    %broadcast_in_dim3A_81 = vector.shape_cast %reduce_max3A_80 : vector<20000xf32> to vector<1x20000xf32>
    %eq3A_82 = vector.broadcast %broadcast_in_dim3A_81 : vector<1x20000xf32> to vector<12x20000xf32>
    %eq3A_83 = arith.cmpf oeq, %slice3A_78, %eq3A_82 : vector<12x20000xf32>
    %jit3A_84 = arith.constant 12 : i32
    %broadcast_in_dim3A_85 = vector.broadcast %jit3A_84 : i32 to vector<12x20000xi32>
    %select_n3A_86 = arith.select %eq3A_83, %iota3A, %broadcast_in_dim3A_85 : vector<12x20000xi1>, vector<12x20000xi32>
    %reduce_min3A_87 = arith.constant dense<2147483647> : vector<20000xi32>
    %reduce_min3A_88 = vector.multi_reduction <minsi>, %select_n3A_86, %reduce_min3A_87 [0] : vector<12x20000xi32> to vector<20000xi32>
    %broadcast_in_dim3A_89 = vector.shape_cast %reduce_min3A_88 : vector<20000xi32> to vector<1x20000xi32>
    %eq3A_90 = vector.broadcast %broadcast_in_dim3A_89 : vector<1x20000xi32> to vector<12x20000xi32>
    %eq3A_91 = arith.cmpi eq, %iota3A, %eq3A_90 : vector<12x20000xi32>
    %slice3A_92 = vector.extract_strided_slice %transpose3A {offsets = [61, 0], sizes = [12, 20000], strides = [1, 1]} : vector<76x20000xf32> to vector<12x20000xf32>
    %jit3A_93 = arith.constant 0.000000e+00 : f32
    %broadcast_in_dim3A_94 = vector.broadcast %jit3A_93 : f32 to vector<12x20000xf32>
    %select_n3A_95 = arith.select %eq3A_91, %slice3A_92, %broadcast_in_dim3A_94 : vector<12x20000xi1>, vector<12x20000xf32>
    %reduce_sum3A_96 = arith.constant dense<0.000000e+00> : vector<20000xf32>
    %reduce_sum3A_97 = vector.multi_reduction <add>, %select_n3A_95, %reduce_sum3A_96 [0] : vector<12x20000xf32> to vector<20000xf32>
    %broadcast_in_dim3A_98 = vector.shape_cast %reduce_sum3A_97 : vector<20000xf32> to vector<1x20000xf32>
    %convert_element_type3A_99 = arith.sitofp %broadcast_in_dim3A_89 : vector<1x20000xi32> to vector<1x20000xf32>
    %mul3A_100 = arith.constant 0.52359879 : f32
    %mul3A_101 = vector.broadcast %mul3A_100 : f32 to vector<1x20000xf32>
    %mul3A_102 = arith.mulf %convert_element_type3A_99, %mul3A_101 : vector<1x20000xf32>
    %mul3A_103 = arith.constant 0.261799395 : f32
    %mul3A_104 = vector.broadcast %mul3A_103 : f32 to vector<1x20000xf32>
    %mul3A_105 = arith.mulf %broadcast_in_dim3A_98, %mul3A_104 : vector<1x20000xf32>
    %add3A_106 = arith.addf %mul3A_102, %mul3A_105 : vector<1x20000xf32>
    %jit3A_107 = arith.constant 6.28318548 : f32
    %rem3A = vector.broadcast %jit3A_107 : f32 to vector<1x20000xf32>
    %rem3A_108 = arith.remf %add3A_106, %rem3A : vector<1x20000xf32>
    %ne3A = arith.constant 0.000000e+00 : f32
    %ne3A_109 = vector.broadcast %ne3A : f32 to vector<1x20000xf32>
    %ne3A_110 = arith.cmpf one, %rem3A_108, %ne3A_109 : vector<1x20000xf32>
    %lt3A = arith.constant 0.000000e+00 : f32
    %lt3A_111 = vector.broadcast %lt3A : f32 to vector<1x20000xf32>
    %lt3A_112 = arith.cmpf olt, %rem3A_108, %lt3A_111 : vector<1x20000xf32>
    %lt3A_113 = arith.constant 0.000000e+00 : f32
    %lt3A_114 = arith.cmpf olt, %jit3A_107, %lt3A_113 : f32
    %ne3A_115 = vector.broadcast %lt3A_114 : i1 to vector<1x20000xi1>
    %ne3A_116 = vector.broadcast %ne3A_115 : vector<1x20000xi1> to vector<1x20000xi1>
    %ne3A_117 = arith.xori %lt3A_112, %ne3A_116 : vector<1x20000xi1>
    %and3A = arith.andi %ne3A_117, %ne3A_110 : vector<1x20000xi1>
    %add3A_118 = vector.broadcast %jit3A_107 : f32 to vector<1x20000xf32>
    %add3A_119 = arith.addf %rem3A_108, %add3A_118 : vector<1x20000xf32>
    %select_n3A_120 = arith.select %and3A, %add3A_119, %rem3A_108 : vector<1x20000xi1>, vector<1x20000xf32>
    %gt3A = arith.constant 3.14159274 : f32
    %gt3A_121 = vector.broadcast %gt3A : f32 to vector<1x20000xf32>
    %gt3A_122 = arith.cmpf ogt, %select_n3A_120, %gt3A_121 : vector<1x20000xf32>
    %sub3A = arith.constant 6.28318548 : f32
    %sub3A_123 = vector.broadcast %sub3A : f32 to vector<1x20000xf32>
    %sub3A_124 = arith.subf %select_n3A_120, %sub3A_123 : vector<1x20000xf32>
    %select_n3A_125 = arith.select %gt3A_122, %sub3A_124, %select_n3A_120 : vector<1x20000xi1>, vector<1x20000xf32>
    %slice3A_126 = vector.extract_strided_slice %transpose3A {offsets = [73, 0], sizes = [1, 20000], strides = [1, 1]} : vector<76x20000xf32> to vector<1x20000xf32>
    %mul3A_127 = arith.mulf %slice3A_126, %get3A_11 : vector<1x20000xf32>
    %add3A_128 = arith.addf %mul3A_127, %get3A_11 : vector<1x20000xf32>
    %slice3A_129 = vector.extract_strided_slice %transpose3A {offsets = [74, 0], sizes = [1, 20000], strides = [1, 1]} : vector<76x20000xf32> to vector<1x20000xf32>
    %mul3A_130 = arith.mulf %slice3A_129, %get3A_14 : vector<1x20000xf32>
    %add3A_131 = arith.addf %mul3A_130, %get3A_14 : vector<1x20000xf32>
    %slice3A_132 = vector.extract_strided_slice %transpose3A {offsets = [75, 0], sizes = [1, 20000], strides = [1, 1]} : vector<76x20000xf32> to vector<1x20000xf32>
    %mul3A_133 = arith.mulf %slice3A_132, %get3A_17 : vector<1x20000xf32>
    %add3A_134 = arith.addf %mul3A_133, %get3A_17 : vector<1x20000xf32>
    %mul3A_135 = arith.constant 5.000000e-01 : f32
    %mul3A_136 = vector.broadcast %mul3A_135 : f32 to vector<1x20000xf32>
    %mul3A_137 = arith.mulf %add3A_128, %mul3A_136 : vector<1x20000xf32>
    %add3A_138 = arith.addf %add3A_77, %mul3A_137 : vector<1x20000xf32>
    %broadcast_in_dim3A_139 = arith.constant 0.000000e+00 : f32
    %broadcast_in_dim3A_140 = vector.broadcast %broadcast_in_dim3A_139 : f32 to vector<1x20000xf32>
    %concatenate3A = tpu.concatenate %add3A_40, %add3A_138, %add3A_74, %add3A_128, %add3A_131, %add3A_134, %select_n3A_125, %broadcast_in_dim3A_140 in 0 : vector<1x20000xf32>, vector<1x20000xf32>, vector<1x20000xf32>, vector<1x20000xf32>, vector<1x20000xf32>, vector<1x20000xf32>, vector<1x20000xf32>, vector<1x20000xf32> -> vector<8x20000xf32>
    %swap3A = arith.constant 0 : index
    %swap3A_141 = arith.constant 0 : index
    %swap3A_142 = arith.constant 0 : index
    %swap3A_143 = vector.load %arg4[%swap3A, %swap3A_141, %swap3A_142] : memref<1x8x20000xf32, #tpu.memory_space<vmem>>, vector<1x8x20000xf32>
    %swap3A_144 = vector.shape_cast %swap3A_143 : vector<1x8x20000xf32> to vector<8x20000xf32>
    %swap3A_145 = vector.shape_cast %concatenate3A : vector<8x20000xf32> to vector<1x8x20000xf32>
    tpu.vector_store %arg4[%swap3A, %swap3A_141, %swap3A_142], %swap3A_145 {strides = array<i32>} : memref<1x8x20000xf32, #tpu.memory_space<vmem>>, vector<1x8x20000xf32>,
    return
  }
  func.func @transform_0(%arg0: i32) -> (i32, i32, i32) {
    %c0_i32 = arith.constant 0 : i32
    %c0_i32_0 = arith.constant 0 : i32
    %c0_i32_1 = arith.constant 0 : i32
    return %arg0, %c0_i32, %c0_i32_0 : i32, i32, i32
  }
  func.func @transform_1(%arg0: i32) -> (i32, i32, i32) {
    %c0_i32 = arith.constant 0 : i32
    %c0_i32_0 = arith.constant 0 : i32
    %c0_i32_1 = arith.constant 0 : i32
    return %arg0, %c0_i32, %c0_i32_0 : i32, i32, i32
  }
  func.func @transform_2(%arg0: i32) -> (i32, i32) {
    %c0_i32 = arith.constant 0 : i32
    %c0_i32_0 = arith.constant 0 : i32
    %c0_i32_1 = arith.constant 0 : i32
    return %c0_i32, %c0_i32_0 : i32, i32
  }
  func.func @transform_3(%arg0: i32) -> (i32, i32, i32) {
    %c0_i32 = arith.constant 0 : i32
    %c0_i32_0 = arith.constant 0 : i32
    %c0_i32_1 = arith.constant 0 : i32
    return %arg0, %c0_i32, %c0_i32_0 : i32, i32, i32
  }
}

module attributes {stable_mosaic.version = 14 : i64} {
  func.func @_nms_body(%arg0: memref<8x8x2048xf32, #tpu.memory_space<vmem>>, %arg1: memref<8x2048xf32, #tpu.memory_space<vmem>>) attributes {dimension_semantics = [], scalar_prefetch = 0 : i64, scratch_operands = 0 : i64, tpu.core_type = #tpu.core_type<tc>} {
    %get3A = arith.constant 0 : index
    %get3A_0 = arith.constant 0 : index
    %get3A_1 = arith.constant 0 : index
    %get3A_2 = vector.load %arg0[%get3A, %get3A_0, %get3A_1] : memref<8x8x2048xf32, #tpu.memory_space<vmem>>, vector<8x1x2048xf32>
    %get3A_3 = vector.shape_cast %get3A_2 : vector<8x1x2048xf32> to vector<8x2048xf32>
    %get3A_4 = arith.constant 0 : index
    %get3A_5 = arith.constant 2 : index
    %get3A_6 = arith.constant 0 : index
    %get3A_7 = vector.load %arg0[%get3A_4, %get3A_5, %get3A_6] : memref<8x8x2048xf32, #tpu.memory_space<vmem>>, vector<8x1x2048xf32>
    %get3A_8 = vector.shape_cast %get3A_7 : vector<8x1x2048xf32> to vector<8x2048xf32>
    %get3A_9 = arith.constant 0 : index
    %get3A_10 = arith.constant 4 : index
    %get3A_11 = arith.constant 0 : index
    %get3A_12 = vector.load %arg0[%get3A_9, %get3A_10, %get3A_11] : memref<8x8x2048xf32, #tpu.memory_space<vmem>>, vector<8x1x2048xf32>
    %get3A_13 = vector.shape_cast %get3A_12 : vector<8x1x2048xf32> to vector<8x2048xf32>
    %mul3A = arith.constant 5.000000e-01 : f32
    %mul3A_14 = vector.broadcast %mul3A : f32 to vector<8x2048xf32>
    %mul3A_15 = arith.mulf %get3A_13, %mul3A_14 : vector<8x2048xf32>
    %get3A_16 = arith.constant 0 : index
    %get3A_17 = arith.constant 5 : index
    %get3A_18 = arith.constant 0 : index
    %get3A_19 = vector.load %arg0[%get3A_16, %get3A_17, %get3A_18] : memref<8x8x2048xf32, #tpu.memory_space<vmem>>, vector<8x1x2048xf32>
    %get3A_20 = vector.shape_cast %get3A_19 : vector<8x1x2048xf32> to vector<8x2048xf32>
    %mul3A_21 = arith.constant 5.000000e-01 : f32
    %mul3A_22 = vector.broadcast %mul3A_21 : f32 to vector<8x2048xf32>
    %mul3A_23 = arith.mulf %get3A_20, %mul3A_22 : vector<8x2048xf32>
    %sub3A = arith.subf %get3A_3, %mul3A_23 : vector<8x2048xf32>
    %sub3A_24 = arith.subf %get3A_8, %mul3A_15 : vector<8x2048xf32>
    %add3A = arith.addf %get3A_3, %mul3A_23 : vector<8x2048xf32>
    %add3A_25 = arith.addf %get3A_8, %mul3A_15 : vector<8x2048xf32>
    %sub3A_26 = arith.subf %add3A, %sub3A : vector<8x2048xf32>
    %sub3A_27 = arith.subf %add3A_25, %sub3A_24 : vector<8x2048xf32>
    %mul3A_28 = arith.mulf %sub3A_26, %sub3A_27 : vector<8x2048xf32>
    %iota3A = tpu.iota {dimensions = array<i32: 1>} : vector<8x2048xi32>
    %broadcast_in_dim3A = arith.constant 1.000000e+00 : f32
    %broadcast_in_dim3A_29 = vector.broadcast %broadcast_in_dim3A : f32 to vector<8x2048xf32>
    %while3A = arith.constant 0 : i32
    %while3A_30:2 = scf.while (%while3A_33 = %while3A, %while3A_34 = %broadcast_in_dim3A_29) : (i32, vector<8x2048xf32>) -> (i32, vector<8x2048xf32>) {
      %le3A = vector.broadcast %while3A_33 : i32 to vector<8x2048xi32>
      %le3A_35 = arith.cmpi sle, %iota3A, %le3A : vector<8x2048xi32>
      %convert_element_type3A = arith.extui %le3A_35 : vector<8x2048xi1> to vector<8x2048xi32>
      %convert_element_type3A_36 = arith.sitofp %convert_element_type3A : vector<8x2048xi32> to vector<8x2048xf32>
      %mul3A_37 = arith.mulf %while3A_34, %convert_element_type3A_36 : vector<8x2048xf32>
      %reduce_sum3A = arith.constant dense<0.000000e+00> : vector<8xf32>
      %reduce_sum3A_38 = vector.multi_reduction <add>, %mul3A_37, %reduce_sum3A [1] : vector<8x2048xf32> to vector<8xf32>
      %lt3A = arith.constant 2048 : i32
      %lt3A_39 = arith.cmpi slt, %while3A_33, %lt3A : i32
      %lt3A_40 = arith.constant 5.120000e+02 : f32
      %lt3A_41 = vector.broadcast %lt3A_40 : f32 to vector<8xf32>
      %lt3A_42 = arith.cmpf olt, %reduce_sum3A_38, %lt3A_41 : vector<8xf32>
      %reduce_or3A = arith.constant 1.000000e+00 : f32
      %reduce_or3A_43 = arith.constant 0.000000e+00 : f32
      %reduce_or3A_44 = vector.broadcast %reduce_or3A : f32 to vector<8xf32>
      %reduce_or3A_45 = vector.broadcast %reduce_or3A_43 : f32 to vector<8xf32>
      %reduce_or3A_46 = arith.select %lt3A_42, %reduce_or3A_44, %reduce_or3A_45 : vector<8xi1>, vector<8xf32>
      %reduce_or3A_47 = vector.shape_cast %reduce_or3A_46 : vector<8xf32> to vector<1x8xf32>
      %reduce_or3A_48 = arith.constant dense<0xFF800000> : vector<1xf32>
      %reduce_or3A_49 = vector.multi_reduction <maximumf>, %reduce_or3A_47, %reduce_or3A_48 [1] : vector<1x8xf32> to vector<1xf32>
      %reduce_or3A_50 = vector.shape_cast %reduce_or3A_49 : vector<1xf32> to vector<1x1xf32>
      %reduce_or3A_51 = vector.extract %reduce_or3A_50[0, 0] : f32 from vector<1x1xf32>
      %reduce_or3A_52 = arith.constant 0.000000e+00 : f32
      %reduce_or3A_53 = arith.cmpf ogt, %reduce_or3A_51, %reduce_or3A_52 : f32
      %and3A = arith.andi %lt3A_39, %reduce_or3A_53 : i1
      scf.condition(%and3A) %while3A_33, %while3A_34 : i32, vector<8x2048xf32>
    } do {
    ^bb0(%while3A_33: i32, %while3A_34: vector<8x2048xf32>):
      %eq3A = vector.broadcast %while3A_33 : i32 to vector<8x2048xi32>
      %eq3A_35 = arith.cmpi eq, %iota3A, %eq3A : vector<8x2048xi32>
      %jit3A = arith.constant 0.000000e+00 : f32
      %broadcast_in_dim3A_36 = vector.broadcast %jit3A : f32 to vector<8x2048xf32>
      %select_n3A = arith.select %eq3A_35, %sub3A, %broadcast_in_dim3A_36 : vector<8x2048xi1>, vector<8x2048xf32>
      %reduce_sum3A = arith.constant dense<0.000000e+00> : vector<8xf32>
      %reduce_sum3A_37 = vector.multi_reduction <add>, %select_n3A, %reduce_sum3A [1] : vector<8x2048xf32> to vector<8xf32>
      %broadcast_in_dim3A_38 = vector.shape_cast %reduce_sum3A_37 : vector<8xf32> to vector<8x1xf32>
      %jit3A_39 = arith.constant 0.000000e+00 : f32
      %broadcast_in_dim3A_40 = vector.broadcast %jit3A_39 : f32 to vector<8x2048xf32>
      %select_n3A_41 = arith.select %eq3A_35, %sub3A_24, %broadcast_in_dim3A_40 : vector<8x2048xi1>, vector<8x2048xf32>
      %reduce_sum3A_42 = arith.constant dense<0.000000e+00> : vector<8xf32>
      %reduce_sum3A_43 = vector.multi_reduction <add>, %select_n3A_41, %reduce_sum3A_42 [1] : vector<8x2048xf32> to vector<8xf32>
      %broadcast_in_dim3A_44 = vector.shape_cast %reduce_sum3A_43 : vector<8xf32> to vector<8x1xf32>
      %jit3A_45 = arith.constant 0.000000e+00 : f32
      %broadcast_in_dim3A_46 = vector.broadcast %jit3A_45 : f32 to vector<8x2048xf32>
      %select_n3A_47 = arith.select %eq3A_35, %add3A, %broadcast_in_dim3A_46 : vector<8x2048xi1>, vector<8x2048xf32>
      %reduce_sum3A_48 = arith.constant dense<0.000000e+00> : vector<8xf32>
      %reduce_sum3A_49 = vector.multi_reduction <add>, %select_n3A_47, %reduce_sum3A_48 [1] : vector<8x2048xf32> to vector<8xf32>
      %broadcast_in_dim3A_50 = vector.shape_cast %reduce_sum3A_49 : vector<8xf32> to vector<8x1xf32>
      %jit3A_51 = arith.constant 0.000000e+00 : f32
      %broadcast_in_dim3A_52 = vector.broadcast %jit3A_51 : f32 to vector<8x2048xf32>
      %select_n3A_53 = arith.select %eq3A_35, %add3A_25, %broadcast_in_dim3A_52 : vector<8x2048xi1>, vector<8x2048xf32>
      %reduce_sum3A_54 = arith.constant dense<0.000000e+00> : vector<8xf32>
      %reduce_sum3A_55 = vector.multi_reduction <add>, %select_n3A_53, %reduce_sum3A_54 [1] : vector<8x2048xf32> to vector<8xf32>
      %broadcast_in_dim3A_56 = vector.shape_cast %reduce_sum3A_55 : vector<8xf32> to vector<8x1xf32>
      %jit3A_57 = arith.constant 0.000000e+00 : f32
      %broadcast_in_dim3A_58 = vector.broadcast %jit3A_57 : f32 to vector<8x2048xf32>
      %select_n3A_59 = arith.select %eq3A_35, %mul3A_28, %broadcast_in_dim3A_58 : vector<8x2048xi1>, vector<8x2048xf32>
      %reduce_sum3A_60 = arith.constant dense<0.000000e+00> : vector<8xf32>
      %reduce_sum3A_61 = vector.multi_reduction <add>, %select_n3A_59, %reduce_sum3A_60 [1] : vector<8x2048xf32> to vector<8xf32>
      %broadcast_in_dim3A_62 = vector.shape_cast %reduce_sum3A_61 : vector<8xf32> to vector<8x1xf32>
      %jit3A_63 = arith.constant 0.000000e+00 : f32
      %broadcast_in_dim3A_64 = vector.broadcast %jit3A_63 : f32 to vector<8x2048xf32>
      %select_n3A_65 = arith.select %eq3A_35, %while3A_34, %broadcast_in_dim3A_64 : vector<8x2048xi1>, vector<8x2048xf32>
      %reduce_max3A = arith.constant dense<0xFF800000> : vector<8xf32>
      %reduce_max3A_66 = vector.multi_reduction <maximumf>, %select_n3A_65, %reduce_max3A [1] : vector<8x2048xf32> to vector<8xf32>
      %broadcast_in_dim3A_67 = vector.shape_cast %reduce_max3A_66 : vector<8xf32> to vector<8x1xf32>
      %max3A = vector.broadcast %broadcast_in_dim3A_38 : vector<8x1xf32> to vector<8x2048xf32>
      %max3A_68 = arith.maximumf %sub3A, %max3A : vector<8x2048xf32>
      %max3A_69 = vector.broadcast %broadcast_in_dim3A_44 : vector<8x1xf32> to vector<8x2048xf32>
      %max3A_70 = arith.maximumf %sub3A_24, %max3A_69 : vector<8x2048xf32>
      %min3A = vector.broadcast %broadcast_in_dim3A_50 : vector<8x1xf32> to vector<8x2048xf32>
      %min3A_71 = arith.minimumf %add3A, %min3A : vector<8x2048xf32>
      %min3A_72 = vector.broadcast %broadcast_in_dim3A_56 : vector<8x1xf32> to vector<8x2048xf32>
      %min3A_73 = arith.minimumf %add3A_25, %min3A_72 : vector<8x2048xf32>
      %sub3A_74 = arith.subf %min3A_71, %max3A_68 : vector<8x2048xf32>
      %max3A_75 = arith.constant 0.000000e+00 : f32
      %max3A_76 = vector.broadcast %max3A_75 : f32 to vector<8x2048xf32>
      %max3A_77 = arith.maximumf %sub3A_74, %max3A_76 : vector<8x2048xf32>
      %sub3A_78 = arith.subf %min3A_73, %max3A_70 : vector<8x2048xf32>
      %max3A_79 = arith.constant 0.000000e+00 : f32
      %max3A_80 = vector.broadcast %max3A_79 : f32 to vector<8x2048xf32>
      %max3A_81 = arith.maximumf %sub3A_78, %max3A_80 : vector<8x2048xf32>
      %mul3A_82 = arith.mulf %max3A_77, %max3A_81 : vector<8x2048xf32>
      %add3A_83 = vector.broadcast %broadcast_in_dim3A_62 : vector<8x1xf32> to vector<8x2048xf32>
      %add3A_84 = arith.addf %add3A_83, %mul3A_28 : vector<8x2048xf32>
      %sub3A_85 = arith.subf %add3A_84, %mul3A_82 : vector<8x2048xf32>
      %add3A_86 = arith.constant 9.99999993E-9 : f32
      %add3A_87 = vector.broadcast %add3A_86 : f32 to vector<8x2048xf32>
      %add3A_88 = arith.addf %sub3A_85, %add3A_87 : vector<8x2048xf32>
      %div3A = arith.divf %mul3A_82, %add3A_88 : vector<8x2048xf32>
      %gt3A = arith.constant 8.500000e-01 : f32
      %gt3A_89 = vector.broadcast %gt3A : f32 to vector<8x2048xf32>
      %gt3A_90 = arith.cmpf ogt, %div3A, %gt3A_89 : vector<8x2048xf32>
      %gt3A_91 = vector.broadcast %while3A_33 : i32 to vector<8x2048xi32>
      %gt3A_92 = arith.cmpi sgt, %iota3A, %gt3A_91 : vector<8x2048xi32>
      %and3A = arith.andi %gt3A_90, %gt3A_92 : vector<8x2048xi1>
      %gt3A_93 = arith.constant 5.000000e-01 : f32
      %gt3A_94 = vector.broadcast %gt3A_93 : f32 to vector<8x1xf32>
      %gt3A_95 = arith.cmpf ogt, %broadcast_in_dim3A_67, %gt3A_94 : vector<8x1xf32>
      %and3A_96 = vector.broadcast %gt3A_95 : vector<8x1xi1> to vector<8x2048xi1>
      %and3A_97 = arith.andi %and3A, %and3A_96 : vector<8x2048xi1>
      %add3A_98 = arith.constant 1 : i32
      %add3A_99 = arith.addi %while3A_33, %add3A_98 : i32
      %jit3A_100 = arith.constant 0.000000e+00 : f32
      %broadcast_in_dim3A_101 = vector.broadcast %jit3A_100 : f32 to vector<8x2048xf32>
      %select_n3A_102 = arith.select %and3A_97, %broadcast_in_dim3A_101, %while3A_34 : vector<8x2048xi1>, vector<8x2048xf32>
      scf.yield %add3A_99, %select_n3A_102 : i32, vector<8x2048xf32>
    }
    %swap3A = arith.constant 0 : index
    %swap3A_31 = arith.constant 0 : index
    %swap3A_32 = vector.load %arg1[%swap3A, %swap3A_31] : memref<8x2048xf32, #tpu.memory_space<vmem>>, vector<8x2048xf32>
    tpu.vector_store %arg1[%swap3A, %swap3A_31], %while3A_30#1 {strides = array<i32>} : memref<8x2048xf32, #tpu.memory_space<vmem>>, vector<8x2048xf32>,
    return
  }
}

</mosaic_0001>

<sc_bundles>
// kernel: gather_offload_async_start.1
scs
__scs_entry_jumppad:
0x0: {  	(pc) =	sbr.rel $0x88, $3  }
0x1: {  	(tag) =	ssettag $0x0;
	lr =	simm.s32 $0x1  }
0x2: {  	[smem:$0x3F9D] =	sst lr;
	_ =	strace $0xD0000000  }
0x3: {  	_ = 	snop  }
0x4: {  	_ = 	snop  }
0x5: {  	_ = 	snop  }
0x6: {  	_ = 	snop  }
0x7: {  	_ = 	snop  }
__scs_overlays_trampoline_lowered:
0x8: {  	[smem:$0x3FAC] =	sst s0  }
0x9: {  	[smem:$0x3FAD] =	sst s1  }
0xa: {  	[smem:$0x3FAE] =	sst s2  }
0xb: {  	[smem:$0x3FAF] =	sst s3  }
0xc: {  	[smem:$0x3FB0] =	sst s4  }
0xd: {  	[smem:$0x3FB1] =	sst s5  }
0xe: {  	[smem:$0x3FB2] =	sst s6  }
0xf: {  	[smem:$0x3FB3] =	sst s7  }
0x10: {  	[smem:$0x3FB4] =	sst s8  }
0x11: {  	[smem:$0x3FB5] =	sst s9;
	s0 =	simm.s32 @!p0 $0x0  }
0x12: {  	s1 =	sld [smem:$0x3F9B];
	s0 =	simm.s32 @p0 $0x1  }
0x13: {  	[smem:$0x3FB6] =	sst s0;
	s0 =	simm.s32 @!p1 $0x0  }
0x14: {  	s2 =	sld [smem:$0x3F9A];
	s0 =	simm.s32 @p1 $0x1  }
0x15: {  	[smem:$0x3FB7] =	sst s0;
	s0 =	simm.s32 @!p2 $0x0  }
0x16: {  	s3 =	sld [smem:$0x3FDB];
	s0 =	simm.s32 @p2 $0x1  }
0x17: {  	s4 =	simm.s32 $0x1BF5;
	[smem:$0x3FB9] =	sst s0  }
0x18: {  	s0 =	sld [smem:$0x3F9C];
	_ =	swait.ge [sflag:s4], $0x0  }
0x19: {  	s7 =	sld [smem:$0x3F9D]  }
0x1a: {  	s8 =	sadd.s32 $0xFFFFE003, lr  }
0x1b: {  	s9 =	sadd.s32 $0xFFFFFEF7, lr;
	s5 =	simm.s32 $0xFFFFFFFF;
	p2 =	slt.u32 s8, $0xFFFFF086  }
0x1c: {  	p1 =	slt.u32 s9, $0xF7A;
	s5 =	simm.s32 @!p2 $0x0  }
0x1d: {  	s5 =	simm.s32 @p1 $0x1;
	p0 =	seq.s32 s7, s2  }
0x1e: {  	s7 =	smul.u32 @!p0 $0xF7A, s2;
	p2 =	seq.s32 @!p0 s5, $0x0  }
0x1f: {  	s9 =	smul.u32 $0xF7A, s1;
	s8 =	simm.s32 @!p0 $0x1BF5;
	p2 =	por !p2, p0  }
0x20: {  	[sflag:s8] =	ssyncset.s32 @!p0 $0xFFFFF086;
	s6 =	sadd.s32 @!p0 s3, s7;
	s7 =	simm.s32 @!p0 $0x108  }
0x21: {  	s3 =	sadd.s32 s3, s9;
	s6 =	sadd.s32 @!p0 $0x88, s6;
	s7 =	simm.s32 @p2 $0x1082  }
0x22: {  	[simem:s7], [sflag:s8] =	dma.local @!p0 [hbm:s6], $0xF7A  }
0x23: {  	s9 =	sor.u32 $0xD0000000, s2;
	s6 =	simm.s32 $0x108;
	_ =	swait.ge @!p0 [sflag:s8], $0x0  }
0x24: {  	s3 =	sadd.s32 $0x88, s3;
	s6 =	simm.s32 @!p1 $0x1082;
	[sflag:s4] =	ssyncset.s32 $0xFFFFF086  }
0x25: {  	[simem:s6], [sflag:s4] =	dma.local [hbm:s3], $0xF7A  }
0x26: {  	[smem:$0x3F9D] =	sst s1;
	(tag) =	ssettag s2;
	_ =	strace s9  }
0x27: {  	s1 =	sld [smem:$0x3FAD]  }
0x28: {  	s2 =	sld [smem:$0x3FAE]  }
0x29: {  	s4 =	sld [smem:$0x3FB0]  }
0x2a: {  	p0 =	seq.s32 s5, $0x0;
	s5 =	sld [smem:$0x3FB1]  }
0x2b: {  	s6 =	sld [smem:$0x3FB2]  }
0x2c: {  	s7 =	sld [smem:$0x3FB3]  }
0x2d: {  	s3 =	simm.s32 $0x108;
	s8 =	sld [smem:$0x3FB4]  }
0x2e: {  	s3 =	simm.s32 @!p0 $0x1082;
	s9 =	sld [smem:$0x3FB5]  }
0x2f: {  	lr =	sadd.s32 s0, s3;
	s0 =	sld [smem:$0x3FAC]  }
0x30: {  	s3 =	sld [smem:$0x3FAF]  }
0x31: {  	[smem:$0x3FB8] =	sst s10  }
0x32: {  	s10 =	sld [smem:$0x3FB6];
	_ =	sdelay $0x3  }
0x33: {  	p0 =	seq.s32 s10, $0x1;
	s10 =	sld [smem:$0x3FB8];
	_ =	sdelay $0x3  }
0x34: {  	[smem:$0x3FB8] =	sst s10  }
0x35: {  	s10 =	sld [smem:$0x3FB7];
	_ =	sdelay $0x3  }
0x36: {  	p1 =	seq.s32 s10, $0x1;
	s10 =	sld [smem:$0x3FB8];
	_ =	sdelay $0x3  }
0x37: {  	[smem:$0x3FB8] =	sst s10  }
0x38: {  	s10 =	sld [smem:$0x3FB9]  }
0x39: {  	_ = 	snop;
	(pc) =	sbr.ind lr, $3  }
0x3a: {  	_ = 	snop  }
0x3b: {  	_ = 	snop  }
0x3c: {  	p2 =	seq.s32 s10, $0x1;
	s10 =	sld [smem:$0x3FB8]  }
0x3d: {  	_ =	shalt  }
0x3e: {  	_ =	shalt  }
0x3f: {  	_ =	shalt  }
0x40: {  	_ =	shalt  }
0x41: {  	_ =	shalt  }
0x42: {  	_ =	shalt  }
0x43: {  	_ =	shalt  }
0x44: {  	_ =	shalt  }
0x45: {  	_ =	shalt  }
0x46: {  	_ =	shalt  }
0x47: {  	_ =	shalt  }
0x48: {  	_ =	shalt  }
0x49: {  	_ =	shalt  }
0x4a: {  	_ =	shalt  }
0x4b: {  	_ =	shalt  }
0x4c: {  	_ =	shalt  }
0x4d: {  	_ =	shalt  }
0x4e: {  	_ =	shalt  }
0x4f: {  	_ =	shalt  }
0x50: {  	_ =	shalt  }
0x51: {  	_ =	shalt  }
0x52: {  	_ =	shalt  }
0x53: {  	_ =	shalt  }
0x54: {  	_ =	shalt  }
0x55: {  	_ =	shalt  }
0x56: {  	_ =	shalt  }
0x57: {  	_ =	shalt  }
0x58: {  	_ =	shalt  }
0x59: {  	_ =	shalt  }
0x5a: {  	_ =	shalt  }
0x5b: {  	_ =	shalt  }
0x5c: {  	_ =	shalt  }
0x5d: {  	_ =	shalt  }
0x5e: {  	_ =	shalt  }
0x5f: {  	_ =	shalt  }
0x60: {  	_ =	shalt  }
0x61: {  	_ =	shalt  }
0x62: {  	_ =	shalt  }
0x63: {  	_ =	shalt  }
0x64: {  	_ =	shalt  }
0x65: {  	_ =	shalt  }
0x66: {  	_ =	shalt  }
0x67: {  	_ =	shalt  }
0x68: {  	_ =	shalt  }
0x69: {  	_ =	shalt  }
0x6a: {  	_ =	shalt  }
0x6b: {  	_ =	shalt  }
0x6c: {  	_ =	shalt  }
0x6d: {  	_ =	shalt  }
0x6e: {  	_ =	shalt  }
0x6f: {  	_ =	shalt  }
0x70: {  	_ =	shalt  }
0x71: {  	_ =	shalt  }
0x72: {  	_ =	shalt  }
0x73: {  	_ =	shalt  }
0x74: {  	_ =	shalt  }
0x75: {  	_ =	shalt  }
0x76: {  	_ =	shalt  }
0x77: {  	_ =	shalt  }
0x78: {  	_ =	shalt  }
0x79: {  	_ =	shalt  }
0x7a: {  	_ =	shalt  }
0x7b: {  	_ =	shalt  }
0x7c: {  	_ =	shalt  }
0x7d: {  	_ =	shalt  }
0x7e: {  	_ =	shalt  }
0x7f: {  	_ =	shalt  }
0x80: {  	_ =	shalt  }
0x81: {  	_ =	shalt  }
0x82: {  	_ =	shalt  }
0x83: {  	_ =	shalt  }
0x84: {  	_ =	shalt  }
0x85: {  	_ =	shalt  }
0x86: {  	_ =	shalt  }
0x87: {  	_ =	shalt  }
.Lfunc_end0:
.L_simem_size_0:
called_computation.1_lowered:
.L_overlay_start_0:
0x88: {  	s2 =	sld [smem:$0x3FD9]  }
0x89: {  	s3 =	sld [smem:$0x3FFE];
	_ =	sdelay $0x1  }
0x8a: {  	s1 =	srdreg.scid  }
0x8b: {  	s0 =	sand.u32 $0x1, s1  }
0x8c: {  	s14 =	sshll.u32 s0, $0xA;
	s2 =	sadd.s32 s3, s2  }
0x8d: {  	s2 =	sadd.s32 s2, s14  }
0x8e: {  	[smem:$0x3FC4] =	sst s2  }
0x8f: {  	_ = 	snop  }
0x90: {  	s2 =	sld [smem:$0x3FD0];
	_ =	sdelay $0x2  }
0x91: {  	s15 =	simm.s32 $0xA;
	s4 =	simm.s32 $0x10  }
0x92: {  	[smem:s4], [sflag:s15] =	dma.local [hbm:s2], $0x1  }
0x93: {  	_ =	swait.eq [sflag:s15], $0x1  }
0x94: {  	[sflag:s15] =	ssyncset.done $0x0  }
0x95: {  	[sflag:s15] =	ssyncadd.s32 $0xFFFFFFFF  }
0x96: {  	s16 =	sld [smem:$0x10];
	(tm) =	ssettm $0x1  }
0x97: {  	s17 =	sld [smem:$0x3FFB];
	_ =	sdelay $0x3  }
0x98: {  	_ =	strace s17  }
0x99: {  	s3 =	sld [smem:$0x3FFC];
	_ =	sdelay $0x3  }
0x9a: {  	_ =	strace s3  }
0x9b: {  	s3 =	sld [smem:$0x3FFD];
	_ =	sdelay $0x3  }
0x9c: {  	_ =	strace s3  }
0x9d: {  	_ =	strace $0x8FFFFFFF  }
0x9e: {  	s18 =	sld [smem:$0x3FDB];
	_ =	sdelay $0x1  }
0x9f: {  	s19 =	simm.s32 $_scs_section_size  }
0xa0: {  	s5 =	simm.s32 $_size__tile_overlayer_lowered;
	s6 =	simm.s32 $_tile_overlayer_lowered  }
0xa1: {  	s22 =	simm.s32 $0x1BFF;
	s21 =	sshll.u32 s6, $0x1;
	s3 =	sadd.s32 s19, s18  }
0xa2: {  	s7 =	simm.s32 $0x0;
	s20 =	sshll.u32 s5, $0x1;
	s5 =	sadd.s32 s21, s3  }
0xa3: {  	[timem:s7], [sflag:s22] =	dma.local [hbm:s5], s20  }
0xa4: {  	_ =	swait.ge [sflag:s22], s20  }
0xa5: {  	s4 =	ssub.s32 $0x0, s20;
	[sflag:s22] =	ssyncset.done $0x0  }
0xa6: {  	[sflag:s22] =	ssyncadd.s32 s4;
	_ =	sdelay $0x1  }
0xa7: {  	s23 =	simm.s32 $0x1B8B  }
0xa8: {  	_ =	swait.ge [sflag:s23], $0x1  }
0xa9: {  	[sflag:s23] =	ssyncset.done $0x0  }
0xaa: {  	s25 =	simm.s32 $0x1B8E;
	s24 =	sld [smem:$0x3FFE];
	[sflag:s23] =	ssyncadd.s32 $0xFFFFFFFF  }
0xab: {  	s26 =	simm.s32 $execute0_lowered;
	[smem:$0x3FD2] =	sst s25  }
0xac: {  	s5 =	sshll.u32 s26, $0x1;
	_ =	strace $0x8000004C;
	[dreg:$0x1] =	wrdreg $0xFFFFFFFF  }
0xad: {  	s28 =	simm.s32 $_size_execute0_lowered;
	s3 =	sadd.s32 s3, s5;
	[dreg:$0x0] =	wrdreg $0x0  }
0xae: {  	s5 =	sshll.u32 s28, $0x1;
	[dreg:$0x2] =	wrdreg s3  }
0xaf: {  	[dreg:$0x3] =	wrdreg s5  }
0xb0: {  	[dreg:$0x4] =	wrdreg $0xC0  }
0xb1: {  	_ =	task [dreg:s7], $0x5FFFF  }
0xb2: {  	[dreg:$0x1] =	wrdreg $0xFFFFFFFF  }
0xb3: {  	[dreg:$0x0] =	wrdreg $0x60  }
0xb4: {  	[dreg:$0x2] =	wrdreg s24  }
0xb5: {  	[dreg:$0x3] =	wrdreg s16  }
0xb6: {  	[dreg:$0x4] =	wrdreg $0x9  }
0xb7: {  	_ =	task.clear_ibuf [dreg:s7], $0x5FFFF;
	_ =	strace $0x9000004C  }
0xb8: {  	s29 =	simm.s32 $0x9;
	_ =	strace $0x8000004E  }
0xb9: {  	_ =	swait.ge [sflag:s29], $0x1  }
0xba: {  	[sflag:s29] =	ssyncadd.s32 $0xFFFFFFFF  }
0xbb: {  	_ =	strace $0x9000004E  }
0xbc: {  	_ =	sfence  }
0xbd: {  	s30 =	sld [smem:$0x0];
	_ =	sdelay $0x2  }
0xbe: {  	s31 =	sshll.u32 s1, $0xD;
	s1 =	sshrl.u32 s1, $0x2  }
0xbf: {  	s3 =	sand.u32 $0x4000, s31;
	s1 =	sadd.s32 s1, s30  }
0xc0: {  	s0 =	sor.u32 s3, s0;
	s1 =	sshll.u32 s1, $0x11  }
0xc1: {  	s0 =	sor.u32 s1, s0  }
0xc2: {  	s0 =	sadd.s32 $0x8F2B, s0  }
0xc3: {  	[sflag:s0] =	ssyncadd.remote.s32 $0x1  }
0xc4: {  	_ =	sfence.sel $0xFFFF  }
0xc5: {  	[dreg:$0x0] =	wrdreg $0xFFFFFFFF;
	(pc) =	sbr.abs _section_cstart, $3  }
0xc6: {  	[dreg:$0x1] =	wrdreg $0xFFFFFFFF  }
0xc7: {  	_ =	task.clear_ibuf [dreg:s7], $0x2FFFF;
	_ =	strace $0x9FFFFFFF  }
0xc8: {  	(tm) =	ssettm $0x7FFFFFFF  }
0xc9: {  	_ =	shalt  }
tec
execute0_lowered:
.L_overlay_start_1:
0x0: {  	(tag) =	ssettag $0x1  }
0x1: {  	s2 =	rddreg [dreg:$0x0]  }
0x2: {  	s3 =	rddreg [dreg:$0x1]  }
0x3: {  	s0 =	rddreg [dreg:$0x2];
	s1 =	srdreg.scid;
	_ =	strace $0x8000004D  }
0x4: {  	s4 =	simm.s32 $0x1;
	s9 =	simm.s32 $0x3;
	s5 =	sshll.u32 s1, $0x4  }
.Ltmp0:
0x5: {  	s1 =	stileid.u32;
	s5 =	sand.u32 $0x10, s5;
	(pc) =	sbr.rel .LBB2_1-.Ltmp0, $4  }
0x6: {  	s12 =	simm.s32 $0x0;
	s10 =	simm.s32 $0x0;
	s6 =	sor.u32 s1, s5  }
0x7: {  	[sflag:s4] =	ssyncpa.u1 $0x0;
	s5 =	simm.s32 $0x2;
	s6 =	sshll.u32 s6, $0x7  }
0x8: {  	s7 =	sadd.s32 $0x40000, s2;
	[sflag:s5] =	ssyncpa.u1 $0x0;
	s8 =	sadd.s32 $0x80, s6  }
0x9: {  	vm0 =	vmmov $0xff;
	vm1 =	vcmask $0x3F20;
	[sflag:s9] =	ssyncpa.u1 $0x0;
	s9 =	simm.s32 $0x80;
	s11 =	smov.u32 s6  }
.LBB2_9:
0xa: {  	p0 =	seq.s32 s10, $0x2  }
.Ltmp1:
0xb: {  	_ = 	snop;
	(pc) =	sbr.rel @p0 .LBB2_11-.Ltmp1, $1  }
0xc: {  	_ =	sdelay $0x3  }
.LBB2_10:
0xd: {  	s12 =	sadd.s32 $0x80, s11  }
0xe: {  	s13 =	smov.u32 s6;
	p0 =	slt.s32 s12, s8  }
0xf: {  	s13 =	smov.u32 @p0 s12  }
0x10: {  	s10 =	sadd.s32 $0x1, s10;
	s12 =	smov.u32 s11;
	s11 =	smov.u32 s13  }
.LBB2_1:
0x11: {  	p0 =	sne.s32 s10, $0x0  }
.Ltmp2:
0x12: {  	_ = 	snop;
	(pc) =	sbr.rel @!p0 .LBB2_2-.Ltmp2, $1  }
0x13: {  	_ =	sdelay $0x3  }
0x14: {  	s13 =	sand.u32 $0x1, s10  }
0x15: {  	p0 =	seq.s32 s13, $0x0  }
.Ltmp3:
0x16: {  	_ = 	snop;
	(pc) =	sbr.rel @p0 .LBB2_9-.Ltmp3, $1  }
0x17: {  	_ =	sdelay $0x3  }
0x18: {  	_ =	swait.ge [sflag:s5], $0x80  }
0x19: {  	[sflag:s5] =	ssyncset.done $0x0  }
0x1a: {  	s13 =	simm.s32 $0x0;
	[sflag:s5] =	ssyncadd.s32 $0xFFFFFF80  }
0x1b: {  	v0 =	vld.msk [tilespmem:s13+$0x80 ss:$0x1], $0xffff;
	_ =	sdelay $0x4  }
0x1c: {  	v1 =	vshll.u32 v0, $0x4  }
0x1d: {  	vm2 =	veq.s32 v0, $0x80000000;
	v0 =	vshll.u32 v0, $0x12;
	v1 =	vand.u32 $0x3FF80, v1  }
0x1e: {  	v0 =	vand.u32 $0x1C0000, v0;
	v1 =	vsel vm2, $0xFFFFFF80, v1  }
0x1f: {  	v0 =	vsel vm2, $0xFFFC0000, v0;
	v2 =	vand.u32 $0xFFFFFC00, v1  }
0x20: {  	v1 =	vand.u32 $0x380, v1;
	v0 =	vadd.s32 v0, v2  }
0x21: {  	v0 =	vor.u32 v1, v0  }
0x22: {  	v0 =	vshrl.u32 v0, $0x3;
	_ =	sdelay $0x3  }
0x23: {  	s13 =	simm.s32 $0x4100  }
0x24: {  	[tilespmem:s13], [sflag:$0x1] =	stream.indirect_vreg.gather [hbm:s2], $0x80, v0, vm0, $0x38;
	[tilespmem:$0x8100] =	vst v63  }
0x25: {  	s14 =	simm.s32 $0x4500;
	s31 =	simm.s32 $0x10  }
0x26: {  	[tilespmem:s14], [sflag:$0x1] =	stream.indirect_vreg.gather [hbm:s2], $0x80, v0, vm1, $0x38;
	[tilespmem:$0x8100] =	vst v63  }
0x27: {  	s14 =	simm.s32 $0x80;
	v0 =	vld.msk [tilespmem:s31+$0x80 ss:$0x1], $0xffff  }
.LBB2_5:
0x28: {  	p0 =	sne.s32 s14, $0x1C0;
	_ =	sdelay $0x4  }
0x29: {  	v1 =	vshll.u32 v0, $0x4  }
0x2a: {  	vm2 =	veq.s32 v0, $0x80000000;
	v0 =	vshll.u32 v0, $0x12;
	v1 =	vand.u32 $0x3FF80, v1  }
0x2b: {  	v0 =	vand.u32 $0x1C0000, v0;
	v1 =	vsel vm2, $0xFFFFFF80, v1  }
0x2c: {  	v0 =	vsel vm2, $0xFFFC0000, v0;
	v2 =	vand.u32 $0xFFFFFC00, v1  }
0x2d: {  	v1 =	vand.u32 $0x380, v1;
	v0 =	vadd.s32 v0, v2  }
0x2e: {  	v0 =	vor.u32 v1, v0  }
0x2f: {  	v0 =	vshrl.u32 v0, $0x3;
	_ =	sdelay $0x3  }
.Ltmp4:
0x30: {  	s13 =	sadd.s32 $0x800, s13;
	(pc) =	sbr.rel @p0 .LBB2_5-.Ltmp4, $4  }
0x31: {  	[tilespmem:s13], [sflag:$0x1] =	stream.indirect_vreg.gather [hbm:s2], $0x80, v0, vm0, $0x38;
	[tilespmem:$0x8100] =	vst v63  }
0x32: {  	s15 =	sshra.s32 s14, $0x2;
	s16 =	sadd.s32 $0x400, s13  }
0x33: {  	[tilespmem:s16], [sflag:$0x1] =	stream.indirect_vreg.gather [hbm:s2], $0x80, v0, vm1, $0x38;
	[tilespmem:$0x8100] =	vst v63  }
0x34: {  	s14 =	sadd.s32 $0x40, s14;
	v0 =	vld.msk [tilespmem:s15+$0x80 ss:$0x1], $0xffff  }
0x35: {  	_ =	sdelay $0x3  }
0x36: {  	v1 =	vshll.u32 v0, $0x4  }
0x37: {  	vm2 =	veq.s32 v0, $0x80000000;
	v63 =	vshll.u32 v0, $0x12;
	v1 =	vand.u32 $0x3FF80, v1  }
0x38: {  	v0 =	vand.u32 $0x1C0000, v63;
	v1 =	vsel vm2, $0xFFFFFF80, v1  }
0x39: {  	v0 =	vsel vm2, $0xFFFC0000, v0;
	v2 =	vand.u32 $0xFFFFFC00, v1  }
0x3a: {  	v1 =	vand.u32 $0x380, v1;
	v0 =	vadd.s32 v0, v2  }
0x3b: {  	v0 =	vor.u32 v1, v0  }
0x3c: {  	v0 =	vshrl.u32 v0, $0x3;
	_ =	sdelay $0x3  }
0x3d: {  	s13 =	sadd.s32 $0x800, s13  }
0x3e: {  	[tilespmem:s13], [sflag:$0x1] =	stream.indirect_vreg.gather [hbm:s2], $0x80, v0, vm0, $0x38;
	[tilespmem:$0x8100] =	vst v63  }
0x3f: {  	s13 =	sadd.s32 $0x400, s13  }
0x40: {  	[tilespmem:s13], [sflag:$0x1] =	stream.indirect_vreg.gather [hbm:s2], $0x80, v0, vm1, $0x38;
	[tilespmem:$0x8100] =	vst v63  }
0x41: {  	s12 =	sshll.u32 s12, $0x4;
	s14 =	simm.s32 $0x80;
	_ =	swait.ge [sflag:s4], $0x4000  }
0x42: {  	s15 =	simm.s32 $0x4500;
	s12 =	sadd.s32 s12, s7;
	[sflag:s4] =	ssyncset.done $0x0  }
0x43: {  	s16 =	sadd.s32 $0x0, s12;
	s13 =	simm.s32 $0x4100;
	[sflag:s4] =	ssyncadd.s32 $0xFFFFC000  }
.LBB2_7:
0x44: {  	[hbm:s16] =	stream.linear.scatter [tilespmem:s13], [sflag:$0x3], $0x400, $0x38;
	[tilespmem:$0x8100] =	vst v63  }
0x45: {  	s16 =	smov.u32 s14;
	s13 =	smov.u32 s15;
	p0 =	sne.s32 s14, $0x780  }
.Ltmp5:
0x46: {  	s14 =	sadd.s32 $0x80, s14;
	(pc) =	sbr.rel @p0 .LBB2_7-.Ltmp5, $2  }
0x47: {  	_ =	sdelay $0x2  }
0x48: {  	s15 =	sadd.s32 $0x400, s15;
	s16 =	sadd.s32 s16, s12  }
.Ltmp6:
0x49: {  	(pc) =	sbr.rel .LBB2_9-.Ltmp6, $2  }
0x4a: {  	_ =	sdelay $0x2  }
0x4b: {  	[hbm:s16] =	stream.linear.scatter [tilespmem:s13], [sflag:$0x3], $0x400, $0x38;
	[tilespmem:$0x8100] =	vst v63  }
.LBB2_2:
.Ltmp7:
0x4c: {  	(pc) =	sbr.rel .LBB2_10-.Ltmp7, $4  }
0x4d: {  	_ = 	snop  }
0x4e: {  	s12 =	sshrl.u32 s11, $0x3  }
0x4f: {  	s13 =	sand.u32 $0x7, s11;
	s12 =	sadd.s32 s3, s12  }
0x50: {  	[tilespmem:s9], [sflag:$0x2] =	stream.linear.gather [hbm4b:s12+s13], $0x80, $0x38;
	[tilespmem:$0x8100] =	vst v63  }
.LBB2_11:
0x51: {  	s2 =	simm.s32 $0x3  }
0x52: {  	_ =	swait.ge [sflag:s2], $0x4000  }
0x53: {  	[sflag:s2] =	ssyncset.done $0x0  }
0x54: {  	[sflag:s2] =	ssyncadd.s32 $0xFFFFC000  }
0x55: {  	_ =	sfence.sel $0x180000  }
0x56: {  	s3 =	simm.s32 $0x2;
	[bflag:$0x0] =	sbarrier.arrive $0xFFFF  }
0x57: {  	[sflag:s3] =	ssyncpa.u1 $0x1  }
0x58: {  	s31 =	simm.s32 $0x1;
	[sflag:s2] =	ssyncpa.u1 $0x1  }
0x59: {  	[sflag:s31] =	ssyncpa.u1 $0x1  }
0x5a: {  	p0 =	sne.s32 s1, $0x0;
	_ =	strace $0x9000004D  }
0x5b: {  	s0 =	sadd.s32 @!p0 $0x100000, s0;
	[bflag:$0x2] =	sbarrier.arrive $0xFFFF  }
0x5c: {  	[sflag:s0] =	ssyncadd.tile.s32 @!p0 $0x1;
	_ =	shalt  }
.Lfunc_end2:
_tile_overlayer_lowered:
.L_overlay_start_2:
0x5d: {  	(tag) =	ssettag $0x2  }
0x5e: {  	s0 =	rddreg [dreg:$0x0];
	s2 =	stileid.u32  }
0x5f: {  	s1 =	rddreg [dreg:$0x1];
	p0 =	sne.s32 s2, $0x0  }
0x60: {  	s3 =	rddreg [dreg:$0x2];
	[bflag:$0x3] =	sbarrier.arrive $0xFFFF;
	s2 =	simm.s32 @!p0 $0x1C01  }
0x61: {  	[timem:s3], [sflag:s2] =	dma.local @!p0 [hbm:s0], s1  }
0x62: {  	s0 =	simm.s32 @!p0 $0x1  }
0x63: {  	_ =	swait.ge @!p0 [sflag:s0], s1  }
0x64: {  	s1 =	ssub.s32 @!p0 $0x0, s1;
	[sflag:s0] =	ssyncset.done @!p0 $0x0  }
0x65: {  	[sflag:s0] =	ssyncadd.s32 @!p0 s1  }
0x66: {  	[bflag:$0x3] =	sbarrier.arrive $0xFFFF  }
0x67: {  	_ =	shalt  }

// kernel: gather_offload_async_start.2
scs
__scs_entry_jumppad:
0x0: {  	(pc) =	sbr.rel $0x88, $3  }
0x1: {  	(tag) =	ssettag $0x0;
	lr =	simm.s32 $0x1  }
0x2: {  	[smem:$0x3F9D] =	sst lr;
	_ =	strace $0xD0000000  }
0x3: {  	_ = 	snop  }
0x4: {  	_ = 	snop  }
0x5: {  	_ = 	snop  }
0x6: {  	_ = 	snop  }
0x7: {  	_ = 	snop  }
__scs_overlays_trampoline_lowered:
0x8: {  	[smem:$0x3FAC] =	sst s0  }
0x9: {  	[smem:$0x3FAD] =	sst s1  }
0xa: {  	[smem:$0x3FAE] =	sst s2  }
0xb: {  	[smem:$0x3FAF] =	sst s3  }
0xc: {  	[smem:$0x3FB0] =	sst s4  }
0xd: {  	[smem:$0x3FB1] =	sst s5  }
0xe: {  	[smem:$0x3FB2] =	sst s6  }
0xf: {  	[smem:$0x3FB3] =	sst s7  }
0x10: {  	[smem:$0x3FB4] =	sst s8  }
0x11: {  	[smem:$0x3FB5] =	sst s9;
	s0 =	simm.s32 @!p0 $0x0  }
0x12: {  	s1 =	sld [smem:$0x3F9B];
	s0 =	simm.s32 @p0 $0x1  }
0x13: {  	[smem:$0x3FB6] =	sst s0;
	s0 =	simm.s32 @!p1 $0x0  }
0x14: {  	s2 =	sld [smem:$0x3F9A];
	s0 =	simm.s32 @p1 $0x1  }
0x15: {  	[smem:$0x3FB7] =	sst s0;
	s0 =	simm.s32 @!p2 $0x0  }
0x16: {  	s3 =	sld [smem:$0x3FDB];
	s0 =	simm.s32 @p2 $0x1  }
0x17: {  	s4 =	simm.s32 $0x1BF5;
	[smem:$0x3FB9] =	sst s0  }
0x18: {  	s0 =	sld [smem:$0x3F9C];
	_ =	swait.ge [sflag:s4], $0x0  }
0x19: {  	s7 =	sld [smem:$0x3F9D]  }
0x1a: {  	s8 =	sadd.s32 $0xFFFFE003, lr  }
0x1b: {  	s9 =	sadd.s32 $0xFFFFFEF7, lr;
	s5 =	simm.s32 $0xFFFFFFFF;
	p2 =	slt.u32 s8, $0xFFFFF086  }
0x1c: {  	p1 =	slt.u32 s9, $0xF7A;
	s5 =	simm.s32 @!p2 $0x0  }
0x1d: {  	s5 =	simm.s32 @p1 $0x1;
	p0 =	seq.s32 s7, s2  }
0x1e: {  	s7 =	smul.u32 @!p0 $0xF7A, s2;
	p2 =	seq.s32 @!p0 s5, $0x0  }
0x1f: {  	s9 =	smul.u32 $0xF7A, s1;
	s8 =	simm.s32 @!p0 $0x1BF5;
	p2 =	por !p2, p0  }
0x20: {  	[sflag:s8] =	ssyncset.s32 @!p0 $0xFFFFF086;
	s6 =	sadd.s32 @!p0 s3, s7;
	s7 =	simm.s32 @!p0 $0x108  }
0x21: {  	s3 =	sadd.s32 s3, s9;
	s6 =	sadd.s32 @!p0 $0x88, s6;
	s7 =	simm.s32 @p2 $0x1082  }
0x22: {  	[simem:s7], [sflag:s8] =	dma.local @!p0 [hbm:s6], $0xF7A  }
0x23: {  	s9 =	sor.u32 $0xD0000000, s2;
	s6 =	simm.s32 $0x108;
	_ =	swait.ge @!p0 [sflag:s8], $0x0  }
0x24: {  	s3 =	sadd.s32 $0x88, s3;
	s6 =	simm.s32 @!p1 $0x1082;
	[sflag:s4] =	ssyncset.s32 $0xFFFFF086  }
0x25: {  	[simem:s6], [sflag:s4] =	dma.local [hbm:s3], $0xF7A  }
0x26: {  	[smem:$0x3F9D] =	sst s1;
	(tag) =	ssettag s2;
	_ =	strace s9  }
0x27: {  	s1 =	sld [smem:$0x3FAD]  }
0x28: {  	s2 =	sld [smem:$0x3FAE]  }
0x29: {  	s4 =	sld [smem:$0x3FB0]  }
0x2a: {  	p0 =	seq.s32 s5, $0x0;
	s5 =	sld [smem:$0x3FB1]  }
0x2b: {  	s6 =	sld [smem:$0x3FB2]  }
0x2c: {  	s7 =	sld [smem:$0x3FB3]  }
0x2d: {  	s3 =	simm.s32 $0x108;
	s8 =	sld [smem:$0x3FB4]  }
0x2e: {  	s3 =	simm.s32 @!p0 $0x1082;
	s9 =	sld [smem:$0x3FB5]  }
0x2f: {  	lr =	sadd.s32 s0, s3;
	s0 =	sld [smem:$0x3FAC]  }
0x30: {  	s3 =	sld [smem:$0x3FAF]  }
0x31: {  	[smem:$0x3FB8] =	sst s10  }
0x32: {  	s10 =	sld [smem:$0x3FB6];
	_ =	sdelay $0x3  }
0x33: {  	p0 =	seq.s32 s10, $0x1;
	s10 =	sld [smem:$0x3FB8];
	_ =	sdelay $0x3  }
0x34: {  	[smem:$0x3FB8] =	sst s10  }
0x35: {  	s10 =	sld [smem:$0x3FB7];
	_ =	sdelay $0x3  }
0x36: {  	p1 =	seq.s32 s10, $0x1;
	s10 =	sld [smem:$0x3FB8];
	_ =	sdelay $0x3  }
0x37: {  	[smem:$0x3FB8] =	sst s10  }
0x38: {  	s10 =	sld [smem:$0x3FB9]  }
0x39: {  	_ = 	snop;
	(pc) =	sbr.ind lr, $3  }
0x3a: {  	_ = 	snop  }
0x3b: {  	_ = 	snop  }
0x3c: {  	p2 =	seq.s32 s10, $0x1;
	s10 =	sld [smem:$0x3FB8]  }
0x3d: {  	_ =	shalt  }
0x3e: {  	_ =	shalt  }
0x3f: {  	_ =	shalt  }
0x40: {  	_ =	shalt  }
0x41: {  	_ =	shalt  }
0x42: {  	_ =	shalt  }
0x43: {  	_ =	shalt  }
0x44: {  	_ =	shalt  }
0x45: {  	_ =	shalt  }
0x46: {  	_ =	shalt  }
0x47: {  	_ =	shalt  }
0x48: {  	_ =	shalt  }
0x49: {  	_ =	shalt  }
0x4a: {  	_ =	shalt  }
0x4b: {  	_ =	shalt  }
0x4c: {  	_ =	shalt  }
0x4d: {  	_ =	shalt  }
0x4e: {  	_ =	shalt  }
0x4f: {  	_ =	shalt  }
0x50: {  	_ =	shalt  }
0x51: {  	_ =	shalt  }
0x52: {  	_ =	shalt  }
0x53: {  	_ =	shalt  }
0x54: {  	_ =	shalt  }
0x55: {  	_ =	shalt  }
0x56: {  	_ =	shalt  }
0x57: {  	_ =	shalt  }
0x58: {  	_ =	shalt  }
0x59: {  	_ =	shalt  }
0x5a: {  	_ =	shalt  }
0x5b: {  	_ =	shalt  }
0x5c: {  	_ =	shalt  }
0x5d: {  	_ =	shalt  }
0x5e: {  	_ =	shalt  }
0x5f: {  	_ =	shalt  }
0x60: {  	_ =	shalt  }
0x61: {  	_ =	shalt  }
0x62: {  	_ =	shalt  }
0x63: {  	_ =	shalt  }
0x64: {  	_ =	shalt  }
0x65: {  	_ =	shalt  }
0x66: {  	_ =	shalt  }
0x67: {  	_ =	shalt  }
0x68: {  	_ =	shalt  }
0x69: {  	_ =	shalt  }
0x6a: {  	_ =	shalt  }
0x6b: {  	_ =	shalt  }
0x6c: {  	_ =	shalt  }
0x6d: {  	_ =	shalt  }
0x6e: {  	_ =	shalt  }
0x6f: {  	_ =	shalt  }
0x70: {  	_ =	shalt  }
0x71: {  	_ =	shalt  }
0x72: {  	_ =	shalt  }
0x73: {  	_ =	shalt  }
0x74: {  	_ =	shalt  }
0x75: {  	_ =	shalt  }
0x76: {  	_ =	shalt  }
0x77: {  	_ =	shalt  }
0x78: {  	_ =	shalt  }
0x79: {  	_ =	shalt  }
0x7a: {  	_ =	shalt  }
0x7b: {  	_ =	shalt  }
0x7c: {  	_ =	shalt  }
0x7d: {  	_ =	shalt  }
0x7e: {  	_ =	shalt  }
0x7f: {  	_ =	shalt  }
0x80: {  	_ =	shalt  }
0x81: {  	_ =	shalt  }
0x82: {  	_ =	shalt  }
0x83: {  	_ =	shalt  }
0x84: {  	_ =	shalt  }
0x85: {  	_ =	shalt  }
0x86: {  	_ =	shalt  }
0x87: {  	_ =	shalt  }
.Lfunc_end0:
.L_simem_size_0:
called_computation.2_lowered:
.L_overlay_start_0:
0x88: {  	s2 =	sld [smem:$0x3FD9]  }
0x89: {  	s3 =	sld [smem:$0x3FFE];
	_ =	sdelay $0x1  }
0x8a: {  	s1 =	srdreg.scid  }
0x8b: {  	s0 =	sand.u32 $0x1, s1  }
0x8c: {  	s14 =	sshll.u32 s0, $0xA;
	s2 =	sadd.s32 s3, s2  }
0x8d: {  	s2 =	sadd.s32 s2, s14  }
0x8e: {  	[smem:$0x3FC4] =	sst s2  }
0x8f: {  	_ = 	snop  }
0x90: {  	s2 =	sld [smem:$0x3FD0];
	_ =	sdelay $0x2  }
0x91: {  	s15 =	simm.s32 $0xA;
	s4 =	simm.s32 $0x10  }
0x92: {  	[smem:s4], [sflag:s15] =	dma.local [hbm:s2], $0x1  }
0x93: {  	_ =	swait.eq [sflag:s15], $0x1  }
0x94: {  	[sflag:s15] =	ssyncset.done $0x0  }
0x95: {  	s16 =	sld [smem:$0x10];
	[sflag:s15] =	ssyncadd.s32 $0xFFFFFFFF  }
0x96: {  	s17 =	sld [smem:$0x11];
	(tm) =	ssettm $0x1  }
0x97: {  	s18 =	sld [smem:$0x3FFB];
	_ =	sdelay $0x3  }
0x98: {  	_ =	strace s18  }
0x99: {  	s4 =	sld [smem:$0x3FFC];
	_ =	sdelay $0x3  }
0x9a: {  	_ =	strace s4  }
0x9b: {  	s4 =	sld [smem:$0x3FFD];
	_ =	sdelay $0x3  }
0x9c: {  	_ =	strace s4  }
0x9d: {  	_ =	strace $0x8FFFFFFF  }
0x9e: {  	s19 =	sld [smem:$0x3FDB];
	_ =	sdelay $0x1  }
0x9f: {  	s5 =	simm.s32 $_scs_section_size  }
0xa0: {  	s6 =	simm.s32 $_size__tile_overlayer_lowered;
	s7 =	simm.s32 $_tile_overlayer_lowered  }
0xa1: {  	s22 =	simm.s32 $0x1BFF;
	s21 =	sshll.u32 s7, $0x1;
	s4 =	sadd.s32 s5, s19  }
0xa2: {  	s8 =	simm.s32 $0x0;
	s20 =	sshll.u32 s6, $0x1;
	s6 =	sadd.s32 s21, s4  }
0xa3: {  	[timem:s8], [sflag:s22] =	dma.local [hbm:s6], s20  }
0xa4: {  	_ =	swait.ge [sflag:s22], s20  }
0xa5: {  	s5 =	ssub.s32 $0x0, s20;
	[sflag:s22] =	ssyncset.done $0x0  }
0xa6: {  	[sflag:s22] =	ssyncadd.s32 s5;
	_ =	sdelay $0x1  }
0xa7: {  	s23 =	simm.s32 $0x1B8B  }
0xa8: {  	_ =	swait.ge [sflag:s23], $0x1  }
0xa9: {  	[sflag:s23] =	ssyncset.done $0x0  }
0xaa: {  	s25 =	simm.s32 $0x1B8E;
	s24 =	sld [smem:$0x3FFE];
	[sflag:s23] =	ssyncadd.s32 $0xFFFFFFFF  }
0xab: {  	s26 =	simm.s32 $execute0_lowered;
	[smem:$0x3FD2] =	sst s25  }
0xac: {  	s6 =	sshll.u32 s26, $0x1;
	_ =	strace $0x80000049;
	[dreg:$0x1] =	wrdreg $0xFFFFFFFF  }
0xad: {  	s28 =	simm.s32 $_size_execute0_lowered;
	s4 =	sadd.s32 s4, s6;
	[dreg:$0x0] =	wrdreg $0x0  }
0xae: {  	s6 =	sshll.u32 s28, $0x1;
	[dreg:$0x2] =	wrdreg s4  }
0xaf: {  	[dreg:$0x3] =	wrdreg s6  }
0xb0: {  	[dreg:$0x4] =	wrdreg $0xC0  }
0xb1: {  	_ =	task [dreg:s8], $0x5FFFF  }
0xb2: {  	[dreg:$0x1] =	wrdreg $0xFFFFFFFF  }
0xb3: {  	[dreg:$0x0] =	wrdreg $0x60  }
0xb4: {  	[dreg:$0x2] =	wrdreg s24  }
0xb5: {  	[dreg:$0x3] =	wrdreg s16  }
0xb6: {  	[dreg:$0x4] =	wrdreg s17  }
0xb7: {  	[dreg:$0x5] =	wrdreg $0x9  }
0xb8: {  	_ =	task.clear_ibuf [dreg:s8], $0x6FFFF;
	_ =	strace $0x90000049  }
0xb9: {  	s29 =	simm.s32 $0x9;
	_ =	strace $0x8000004B  }
0xba: {  	_ =	swait.ge [sflag:s29], $0x1  }
0xbb: {  	[sflag:s29] =	ssyncadd.s32 $0xFFFFFFFF  }
0xbc: {  	_ =	strace $0x9000004B  }
0xbd: {  	_ =	sfence  }
0xbe: {  	s30 =	sld [smem:$0x0];
	_ =	sdelay $0x2  }
0xbf: {  	s31 =	sshll.u32 s1, $0xD;
	s1 =	sshrl.u32 s1, $0x2  }
0xc0: {  	s3 =	sand.u32 $0x4000, s31;
	s1 =	sadd.s32 s1, s30  }
0xc1: {  	s0 =	sor.u32 s3, s0;
	s1 =	sshll.u32 s1, $0x11  }
0xc2: {  	s0 =	sor.u32 s1, s0  }
0xc3: {  	s0 =	sadd.s32 $0x8F2B, s0  }
0xc4: {  	[sflag:s0] =	ssyncadd.remote.s32 $0x1  }
0xc5: {  	_ =	sfence.sel $0xFFFF  }
0xc6: {  	[dreg:$0x0] =	wrdreg $0xFFFFFFFF;
	(pc) =	sbr.abs _section_cstart, $3  }
0xc7: {  	[dreg:$0x1] =	wrdreg $0xFFFFFFFF  }
0xc8: {  	_ =	task.clear_ibuf [dreg:s8], $0x2FFFF;
	_ =	strace $0x9FFFFFFF  }
0xc9: {  	(tm) =	ssettm $0x7FFFFFFF  }
tec
execute0_lowered:
.L_overlay_start_1:
0x0: {  	(tag) =	ssettag $0x1  }
0x1: {  	s5 =	rddreg [dreg:$0x0]  }
0x2: {  	s1 =	srdreg.scid;
	s2 =	rddreg [dreg:$0x1]  }
0x3: {  	s0 =	stileid.u32;
	s3 =	rddreg [dreg:$0x2]  }
0x4: {  	s9 =	simm.s32 $0x1;
	s10 =	simm.s32 $0x3;
	s1 =	sshll.u32 s1, $0x6  }
0x5: {  	s13 =	simm.s32 $0x0;
	s4 =	sshll.u32 s0, $0x7;
	s6 =	sand.u32 $0x40, s1  }
0x6: {  	s12 =	simm.s32 $0x0;
	s5 =	sadd.s32 $0x2B1000, s5;
	s4 =	sor.u32 s4, s6  }
0x7: {  	s1 =	rddreg [dreg:$0x3];
	_ =	strace $0x8000004A;
	s8 =	ssub.s32 $0x1000, s4  }
.Ltmp0:
0x8: {  	s6 =	simm.s32 $0x1;
	s7 =	sand.u32 $0x7C0, s8;
	(pc) =	sbr.rel .LBB2_1-.Ltmp0, $4  }
0x9: {  	[sflag:s6] =	ssyncpa.u1 $0x0;
	s11 =	smov.u32 s4;
	p0 =	sne.s32 s7, $0x0  }
0xa: {  	s8 =	sshrl.u32 s8, $0xB;
	s7 =	simm.s32 $0x2;
	s9 =	simm.s32 @!p0 $0x0  }
0xb: {  	[sflag:s7] =	ssyncpa.u1 $0x0;
	p0 =	por $0x0, $0x0;
	s8 =	sadd.s32 s9, s8  }
0xc: {  	vm0 =	vmmov $0xffff;
	[sflag:s10] =	ssyncpa.u1 $0x0;
	s10 =	simm.s32 $0x0;
	s9 =	sadd.s32 $0x1, s8  }
.LBB2_4:
0xd: {  	vm1 =	veq.s32 v1, $0x80000000;
	v2 =	vand.u32 $0x7FF, v2  }
0xe: {  	v63 =	vand.u32 $0x7, v1;
	v2 =	vsel vm1, $0xFFFFFFFF, v2  }
0xf: {  	v1 =	vsel vm1, $0xFFFFFFFF, v63;
	v3 =	vshll.u32 v2, $0x3  }
0x10: {  	v4 =	vand.u32 $0xFFFFC000, v1;
	v1 =	vshll.u32 v1, $0x7;
	v3 =	vand.u32 $0xFFFFFC00, v3  }
0x11: {  	v1 =	vand.u32 $0x380, v1;
	v3 =	vadd.s32 v4, v3  }
0x12: {  	v2 =	vand.u32 $0x7F, v2;
	v1 =	vor.u32 v1, v3  }
0x13: {  	v1 =	vor.u32 v2, v1;
	_ =	sdelay $0x1  }
0x14: {  	(ifvalue) =	ssetifvalue $0x7FFFFFFF;
	s14 =	sadd.s32 $0x10, s14  }
0x15: {  	[tilespmem:s14], [sflag:$0x1] =	stream.indirect_vreg.gather [hbm4b:s5+s10], $0x1, v0, vm0, $0x4038;
	[tilespmem:$0x100] =	vst v63  }
0x16: {  	(ifvalue) =	ssetifvalue $0x7FFFFFFF;
	s14 =	sadd.s32 $0x10, s14  }
0x17: {  	[tilespmem:s14], [sflag:$0x1] =	stream.indirect_vreg.gather [hbm4b:s5+s10], $0x1, v1, vm0, $0x4038;
	[tilespmem:$0x100] =	vst v63  }
0x18: {  	_ =	swait.ge [sflag:s6], $0x40  }
0x19: {  	s30 =	sshrl.u32 s13, $0x3;
	[sflag:s6] =	ssyncset.done $0x0  }
0x1a: {  	s31 =	sand.u32 $0x7, s13;
	s14 =	sadd.s32 s3, s30;
	[sflag:s6] =	ssyncadd.s32 $0xFFFFFFC0  }
0x1b: {  	[hbm4b:s14+s31] =	stream.linear.scatter [tilespmem:s15], [sflag:$0x3], $0x40, $0x38;
	[tilespmem:$0x100] =	vst v63  }
.LBB2_5:
0x1c: {  	s15 =	sadd.s32 $0x800, s11  }
0x1d: {  	p2 =	sgt.s32 s15, $0xFFF  }
0x1e: {  	s15 =	smov.u32 @p2 s4;
	p2 =	sne.s32 s12, s9  }
.Ltmp1:
0x1f: {  	p1 =	slt.u32 s12, $0x2;
	(pc) =	sbr.rel @!p2 .LBB2_6-.Ltmp1, $4  }
0x20: {  	s14 =	simm.s32 @!p1 $0x3  }
0x21: {  	s16 =	sadd.s32 $0x1, s12;
	_ =	swait.ge @!p1 [sflag:s14], $0x40  }
0x22: {  	s13 =	smov.u32 s11;
	p0 =	por !p0, !p0;
	[sflag:s14] =	ssyncset.done @!p1 $0x0  }
0x23: {  	s12 =	smov.u32 s16;
	s11 =	smov.u32 s15;
	[sflag:s14] =	ssyncadd.s32 @!p1 $0xFFFFFFC0  }
.LBB2_1:
0x24: {  	p1 =	sge.u32 s12, s8  }
0x25: {  	s14 =	sxor.u32 @!p1 $0xFFFFFFFF, s12  }
0x26: {  	s31 =	sadd.s32 $0xFFFFFFFF, s12;
	s15 =	sshrl.u32 @!p1 s11, $0x3;
	s14 =	sshll.u32 @!p1 s14, $0x6  }
0x27: {  	s16 =	sand.u32 @!p1 $0x7, s11;
	s15 =	sadd.s32 @!p1 s2, s15;
	s14 =	sand.u32 @!p1 $0x40, s14  }
0x28: {  	[tilespmem:s14], [sflag:$0x2] =	stream.linear.gather @!p1 [hbm4b:s15+s16], $0x40, $0x38;
	[tilespmem:$0x100] =	vst v63  }
0x29: {  	p1 =	sge.u32 s31, s8  }
.Ltmp2:
0x2a: {  	_ = 	snop;
	(pc) =	sbr.rel @p1 .LBB2_5-.Ltmp2, $1  }
0x2b: {  	_ =	sdelay $0x3  }
0x2c: {  	s14 =	simm.s32 $0x1  }
0x2d: {  	_ =	swait.ge [sflag:s7], $0x40;
	s14 =	simm.s32 @!p0 $0x0  }
0x2e: {  	[sflag:s7] =	ssyncset.done $0x0;
	s14 =	sshll.u32 s14, $0x6  }
0x2f: {  	[sflag:s7] =	ssyncadd.s32 $0xFFFFFFC0;
	(ifvalue) =	ssetifvalue $0x7FFFFFFF;
	v0 =	vld.msk [tilespmem:s14+$0x0 ss:$0x1], $0xffff;
	_ =	sdelay $0x4  }
0x30: {  	s15 =	sadd.s32 $0x10, s14;
	v1 =	vshrl.u32 v0, $0x3  }
0x31: {  	v2 =	vld.msk [tilespmem:s15+$0x0 ss:$0x1], $0xffff;
	vm1 =	veq.s32 v0, $0x80000000;
	v1 =	vand.u32 $0x7FF, v1  }
0x32: {  	v0 =	vand.u32 $0x7, v0;
	v1 =	vsel vm1, $0xFFFFFFFF, v1  }
0x33: {  	v0 =	vsel vm1, $0xFFFFFFFF, v0;
	v3 =	vshll.u32 v1, $0x3  }
0x34: {  	v4 =	vand.u32 $0xFFFFC000, v0;
	v0 =	vshll.u32 v0, $0x7;
	v3 =	vand.u32 $0xFFFFFC00, v3  }
0x35: {  	v0 =	vand.u32 $0x380, v0;
	v3 =	vadd.s32 v4, v3  }
0x36: {  	v1 =	vand.u32 $0x7F, v1;
	v0 =	vor.u32 v0, v3;
	v3 =	vshrl.u32 v2, $0x3  }
0x37: {  	s17 =	sadd.s32 $0x10, s15;
	vm1 =	veq.s32 v2, $0x80000000;
	v0 =	vor.u32 v1, v0;
	v3 =	vand.u32 $0x7FF, v3  }
0x38: {  	v2 =	vand.u32 $0x7, v2;
	v1 =	vld.msk [tilespmem:s17+$0x0 ss:$0x1], $0xffff;
	v3 =	vsel vm1, $0xFFFFFFFF, v3  }
0x39: {  	v2 =	vsel vm1, $0xFFFFFFFF, v2;
	v63 =	vshll.u32 v3, $0x3  }
0x3a: {  	s31 =	sshll.u32 s12, $0x6;
	v5 =	vand.u32 $0xFFFFC000, v2;
	v2 =	vshll.u32 v2, $0x7;
	v4 =	vand.u32 $0xFFFFFC00, v63  }
0x3b: {  	s14 =	sor.u32 $0x80, s14;
	s15 =	sand.u32 $0x40, s31;
	(ifvalue) =	ssetifvalue $0x7FFFFFFF;
	v2 =	vand.u32 $0x380, v2;
	v4 =	vadd.s32 v5, v4  }
0x3c: {  	[tilespmem:s14], [sflag:$0x1] =	stream.indirect_vreg.gather [hbm4b:s5+s10], $0x1, v0, vm0, $0x4038;
	v0 =	vand.u32 $0x7F, v3;
	v3 =	vor.u32 v2, v4;
	[tilespmem:$0x100] =	vst v63  }
0x3d: {  	s16 =	simm.s32 $0x20;
	s15 =	sor.u32 $0x80, s15;
	s17 =	sadd.s32 $0x10, s17;
	v2 =	vshrl.u32 v1, $0x3;
	v0 =	vor.u32 v0, v3  }
.LBB2_3:
0x3e: {  	v3 =	vld.msk [tilespmem:s17+$0x0 ss:$0x1], $0xffff;
	s16 =	sadd.s32 $0x10, s16;
	vm1 =	veq.s32 v1, $0x80000000;
	v2 =	vand.u32 $0x7FF, v2  }
0x3f: {  	v1 =	vand.u32 $0x7, v1;
	p1 =	slt.u32 s16, $0x30;
	v2 =	vsel vm1, $0xFFFFFFFF, v2  }
.Ltmp3:
0x40: {  	v1 =	vsel vm1, $0xFFFFFFFF, v1;
	v4 =	vshll.u32 v2, $0x3;
	(pc) =	sbr.rel @p1 .LBB2_3-.Ltmp3, $4  }
0x41: {  	s14 =	sadd.s32 $0x10, s14;
	v5 =	vand.u32 $0xFFFFC000, v1;
	v1 =	vshll.u32 v1, $0x7;
	v4 =	vand.u32 $0xFFFFFC00, v4;
	(ifvalue) =	ssetifvalue $0x7FFFFFFF  }
0x42: {  	v4 =	vadd.s32 v5, v4;
	v5 =	vand.u32 $0x380, v1;
	[tilespmem:s14], [sflag:$0x1] =	stream.indirect_vreg.gather [hbm4b:s5+s10], $0x1, v0, vm0, $0x4038;
	[tilespmem:$0x100] =	vst v63  }
0x43: {  	v0 =	vand.u32 $0x7F, v2;
	v4 =	vor.u32 v5, v4  }
0x44: {  	s17 =	sadd.s32 $0x10, s17;
	v2 =	vshrl.u32 v3, $0x3;
	v1 =	vmov v3;
	v0 =	vor.u32 v0, v4  }
.Ltmp4:
0x45: {  	_ = 	snop;
	(pc) =	sbr.rel .LBB2_4-.Ltmp4, $1  }
0x46: {  	_ =	sdelay $0x3  }
.LBB2_6:
0x47: {  	_ =	sfence.sel $0x180000  }
0x48: {  	s2 =	simm.s32 $0x2;
	[bflag:$0x0] =	sbarrier.arrive $0xFFFF  }
0x49: {  	s30 =	simm.s32 $0x3;
	[sflag:s2] =	ssyncpa.u1 $0x1  }
0x4a: {  	s31 =	simm.s32 $0x1;
	[sflag:s30] =	ssyncpa.u1 $0x1  }
0x4b: {  	[sflag:s31] =	ssyncpa.u1 $0x1  }
0x4c: {  	p0 =	sne.s32 s0, $0x0;
	_ =	strace $0x9000004A  }
0x4d: {  	s0 =	sadd.s32 @!p0 $0x100000, s1;
	[bflag:$0x2] =	sbarrier.arrive $0xFFFF  }
0x4e: {  	[sflag:s0] =	ssyncadd.tile.s32 @!p0 $0x1;
	_ =	shalt  }
.Lfunc_end2:
_tile_overlayer_lowered:
.L_overlay_start_2:
0x4f: {  	(tag) =	ssettag $0x2  }
0x50: {  	s0 =	rddreg [dreg:$0x0];
	s2 =	stileid.u32  }
0x51: {  	s1 =	rddreg [dreg:$0x1];
	p0 =	sne.s32 s2, $0x0  }
0x52: {  	s3 =	rddreg [dreg:$0x2];
	[bflag:$0x3] =	sbarrier.arrive $0xFFFF;
	s2 =	simm.s32 @!p0 $0x1C01  }
0x53: {  	[timem:s3], [sflag:s2] =	dma.local @!p0 [hbm:s0], s1  }
0x54: {  	s0 =	simm.s32 @!p0 $0x1  }
0x55: {  	_ =	swait.ge @!p0 [sflag:s0], s1  }
0x56: {  	s1 =	ssub.s32 @!p0 $0x0, s1;
	[sflag:s0] =	ssyncset.done @!p0 $0x0  }
0x57: {  	[sflag:s0] =	ssyncadd.s32 @!p0 s1  }
0x58: {  	[bflag:$0x3] =	sbarrier.arrive $0xFFFF  }
0x59: {  	_ =	shalt  }

// kernel: gather_offload_async_start
scs
__scs_entry_jumppad:
0x0: {  	(pc) =	sbr.rel $0x88, $3  }
0x1: {  	(tag) =	ssettag $0x0;
	lr =	simm.s32 $0x1  }
0x2: {  	[smem:$0x3F9D] =	sst lr;
	_ =	strace $0xD0000000  }
0x3: {  	_ = 	snop  }
0x4: {  	_ = 	snop  }
0x5: {  	_ = 	snop  }
0x6: {  	_ = 	snop  }
0x7: {  	_ = 	snop  }
__scs_overlays_trampoline_lowered:
0x8: {  	[smem:$0x3FAC] =	sst s0  }
0x9: {  	[smem:$0x3FAD] =	sst s1  }
0xa: {  	[smem:$0x3FAE] =	sst s2  }
0xb: {  	[smem:$0x3FAF] =	sst s3  }
0xc: {  	[smem:$0x3FB0] =	sst s4  }
0xd: {  	[smem:$0x3FB1] =	sst s5  }
0xe: {  	[smem:$0x3FB2] =	sst s6  }
0xf: {  	[smem:$0x3FB3] =	sst s7  }
0x10: {  	[smem:$0x3FB4] =	sst s8  }
0x11: {  	[smem:$0x3FB5] =	sst s9;
	s0 =	simm.s32 @!p0 $0x0  }
0x12: {  	s1 =	sld [smem:$0x3F9B];
	s0 =	simm.s32 @p0 $0x1  }
0x13: {  	[smem:$0x3FB6] =	sst s0;
	s0 =	simm.s32 @!p1 $0x0  }
0x14: {  	s2 =	sld [smem:$0x3F9A];
	s0 =	simm.s32 @p1 $0x1  }
0x15: {  	[smem:$0x3FB7] =	sst s0;
	s0 =	simm.s32 @!p2 $0x0  }
0x16: {  	s3 =	sld [smem:$0x3FDB];
	s0 =	simm.s32 @p2 $0x1  }
0x17: {  	s4 =	simm.s32 $0x1BF5;
	[smem:$0x3FB9] =	sst s0  }
0x18: {  	s0 =	sld [smem:$0x3F9C];
	_ =	swait.ge [sflag:s4], $0x0  }
0x19: {  	s7 =	sld [smem:$0x3F9D]  }
0x1a: {  	s8 =	sadd.s32 $0xFFFFE003, lr  }
0x1b: {  	s9 =	sadd.s32 $0xFFFFFEF7, lr;
	s5 =	simm.s32 $0xFFFFFFFF;
	p2 =	slt.u32 s8, $0xFFFFF086  }
0x1c: {  	p1 =	slt.u32 s9, $0xF7A;
	s5 =	simm.s32 @!p2 $0x0  }
0x1d: {  	s5 =	simm.s32 @p1 $0x1;
	p0 =	seq.s32 s7, s2  }
0x1e: {  	s7 =	smul.u32 @!p0 $0xF7A, s2;
	p2 =	seq.s32 @!p0 s5, $0x0  }
0x1f: {  	s9 =	smul.u32 $0xF7A, s1;
	s8 =	simm.s32 @!p0 $0x1BF5;
	p2 =	por !p2, p0  }
0x20: {  	[sflag:s8] =	ssyncset.s32 @!p0 $0xFFFFF086;
	s6 =	sadd.s32 @!p0 s3, s7;
	s7 =	simm.s32 @!p0 $0x108  }
0x21: {  	s3 =	sadd.s32 s3, s9;
	s6 =	sadd.s32 @!p0 $0x88, s6;
	s7 =	simm.s32 @p2 $0x1082  }
0x22: {  	[simem:s7], [sflag:s8] =	dma.local @!p0 [hbm:s6], $0xF7A  }
0x23: {  	s9 =	sor.u32 $0xD0000000, s2;
	s6 =	simm.s32 $0x108;
	_ =	swait.ge @!p0 [sflag:s8], $0x0  }
0x24: {  	s3 =	sadd.s32 $0x88, s3;
	s6 =	simm.s32 @!p1 $0x1082;
	[sflag:s4] =	ssyncset.s32 $0xFFFFF086  }
0x25: {  	[simem:s6], [sflag:s4] =	dma.local [hbm:s3], $0xF7A  }
0x26: {  	[smem:$0x3F9D] =	sst s1;
	(tag) =	ssettag s2;
	_ =	strace s9  }
0x27: {  	s1 =	sld [smem:$0x3FAD]  }
0x28: {  	s2 =	sld [smem:$0x3FAE]  }
0x29: {  	s4 =	sld [smem:$0x3FB0]  }
0x2a: {  	p0 =	seq.s32 s5, $0x0;
	s5 =	sld [smem:$0x3FB1]  }
0x2b: {  	s6 =	sld [smem:$0x3FB2]  }
0x2c: {  	s7 =	sld [smem:$0x3FB3]  }
0x2d: {  	s3 =	simm.s32 $0x108;
	s8 =	sld [smem:$0x3FB4]  }
0x2e: {  	s3 =	simm.s32 @!p0 $0x1082;
	s9 =	sld [smem:$0x3FB5]  }
0x2f: {  	lr =	sadd.s32 s0, s3;
	s0 =	sld [smem:$0x3FAC]  }
0x30: {  	s3 =	sld [smem:$0x3FAF]  }
0x31: {  	[smem:$0x3FB8] =	sst s10  }
0x32: {  	s10 =	sld [smem:$0x3FB6];
	_ =	sdelay $0x3  }
0x33: {  	p0 =	seq.s32 s10, $0x1;
	s10 =	sld [smem:$0x3FB8];
	_ =	sdelay $0x3  }
0x34: {  	[smem:$0x3FB8] =	sst s10  }
0x35: {  	s10 =	sld [smem:$0x3FB7];
	_ =	sdelay $0x3  }
0x36: {  	p1 =	seq.s32 s10, $0x1;
	s10 =	sld [smem:$0x3FB8];
	_ =	sdelay $0x3  }
0x37: {  	[smem:$0x3FB8] =	sst s10  }
0x38: {  	s10 =	sld [smem:$0x3FB9]  }
0x39: {  	_ = 	snop;
	(pc) =	sbr.ind lr, $3  }
0x3a: {  	_ = 	snop  }
0x3b: {  	_ = 	snop  }
0x3c: {  	p2 =	seq.s32 s10, $0x1;
	s10 =	sld [smem:$0x3FB8]  }
0x3d: {  	_ =	shalt  }
0x3e: {  	_ =	shalt  }
0x3f: {  	_ =	shalt  }
0x40: {  	_ =	shalt  }
0x41: {  	_ =	shalt  }
0x42: {  	_ =	shalt  }
0x43: {  	_ =	shalt  }
0x44: {  	_ =	shalt  }
0x45: {  	_ =	shalt  }
0x46: {  	_ =	shalt  }
0x47: {  	_ =	shalt  }
0x48: {  	_ =	shalt  }
0x49: {  	_ =	shalt  }
0x4a: {  	_ =	shalt  }
0x4b: {  	_ =	shalt  }
0x4c: {  	_ =	shalt  }
0x4d: {  	_ =	shalt  }
0x4e: {  	_ =	shalt  }
0x4f: {  	_ =	shalt  }
0x50: {  	_ =	shalt  }
0x51: {  	_ =	shalt  }
0x52: {  	_ =	shalt  }
0x53: {  	_ =	shalt  }
0x54: {  	_ =	shalt  }
0x55: {  	_ =	shalt  }
0x56: {  	_ =	shalt  }
0x57: {  	_ =	shalt  }
0x58: {  	_ =	shalt  }
0x59: {  	_ =	shalt  }
0x5a: {  	_ =	shalt  }
0x5b: {  	_ =	shalt  }
0x5c: {  	_ =	shalt  }
0x5d: {  	_ =	shalt  }
0x5e: {  	_ =	shalt  }
0x5f: {  	_ =	shalt  }
0x60: {  	_ =	shalt  }
0x61: {  	_ =	shalt  }
0x62: {  	_ =	shalt  }
0x63: {  	_ =	shalt  }
0x64: {  	_ =	shalt  }
0x65: {  	_ =	shalt  }
0x66: {  	_ =	shalt  }
0x67: {  	_ =	shalt  }
0x68: {  	_ =	shalt  }
0x69: {  	_ =	shalt  }
0x6a: {  	_ =	shalt  }
0x6b: {  	_ =	shalt  }
0x6c: {  	_ =	shalt  }
0x6d: {  	_ =	shalt  }
0x6e: {  	_ =	shalt  }
0x6f: {  	_ =	shalt  }
0x70: {  	_ =	shalt  }
0x71: {  	_ =	shalt  }
0x72: {  	_ =	shalt  }
0x73: {  	_ =	shalt  }
0x74: {  	_ =	shalt  }
0x75: {  	_ =	shalt  }
0x76: {  	_ =	shalt  }
0x77: {  	_ =	shalt  }
0x78: {  	_ =	shalt  }
0x79: {  	_ =	shalt  }
0x7a: {  	_ =	shalt  }
0x7b: {  	_ =	shalt  }
0x7c: {  	_ =	shalt  }
0x7d: {  	_ =	shalt  }
0x7e: {  	_ =	shalt  }
0x7f: {  	_ =	shalt  }
0x80: {  	_ =	shalt  }
0x81: {  	_ =	shalt  }
0x82: {  	_ =	shalt  }
0x83: {  	_ =	shalt  }
0x84: {  	_ =	shalt  }
0x85: {  	_ =	shalt  }
0x86: {  	_ =	shalt  }
0x87: {  	_ =	shalt  }
.Lfunc_end0:
.L_simem_size_0:
called_computation_lowered:
.L_overlay_start_0:
0x88: {  	s2 =	sld [smem:$0x3FD9]  }
0x89: {  	s3 =	sld [smem:$0x3FFE];
	_ =	sdelay $0x1  }
0x8a: {  	s1 =	srdreg.scid  }
0x8b: {  	s0 =	sand.u32 $0x1, s1  }
0x8c: {  	s14 =	sshll.u32 s0, $0xA;
	s2 =	sadd.s32 s3, s2  }
0x8d: {  	s2 =	sadd.s32 s2, s14  }
0x8e: {  	[smem:$0x3FC4] =	sst s2  }
0x8f: {  	_ = 	snop  }
0x90: {  	s2 =	sld [smem:$0x3FD0];
	_ =	sdelay $0x2  }
0x91: {  	s15 =	simm.s32 $0xA;
	s4 =	simm.s32 $0x10  }
0x92: {  	[smem:s4], [sflag:s15] =	dma.local [hbm:s2], $0x1  }
0x93: {  	_ =	swait.eq [sflag:s15], $0x1  }
0x94: {  	[sflag:s15] =	ssyncset.done $0x0  }
0x95: {  	[sflag:s15] =	ssyncadd.s32 $0xFFFFFFFF  }
0x96: {  	s16 =	sld [smem:$0x10];
	(tm) =	ssettm $0x1  }
0x97: {  	s17 =	sld [smem:$0x3FFB];
	_ =	sdelay $0x3  }
0x98: {  	_ =	strace s17  }
0x99: {  	s3 =	sld [smem:$0x3FFC];
	_ =	sdelay $0x3  }
0x9a: {  	_ =	strace s3  }
0x9b: {  	s3 =	sld [smem:$0x3FFD];
	_ =	sdelay $0x3  }
0x9c: {  	_ =	strace s3  }
0x9d: {  	_ =	strace $0x8FFFFFFF  }
0x9e: {  	s18 =	sld [smem:$0x3FDB];
	_ =	sdelay $0x1  }
0x9f: {  	s19 =	simm.s32 $_scs_section_size  }
0xa0: {  	s5 =	simm.s32 $_size__tile_overlayer_lowered;
	s6 =	simm.s32 $_tile_overlayer_lowered  }
0xa1: {  	s22 =	simm.s32 $0x1BFF;
	s21 =	sshll.u32 s6, $0x1;
	s3 =	sadd.s32 s19, s18  }
0xa2: {  	s7 =	simm.s32 $0x0;
	s20 =	sshll.u32 s5, $0x1;
	s5 =	sadd.s32 s21, s3  }
0xa3: {  	[timem:s7], [sflag:s22] =	dma.local [hbm:s5], s20  }
0xa4: {  	_ =	swait.ge [sflag:s22], s20  }
0xa5: {  	s4 =	ssub.s32 $0x0, s20;
	[sflag:s22] =	ssyncset.done $0x0  }
0xa6: {  	[sflag:s22] =	ssyncadd.s32 s4;
	_ =	sdelay $0x1  }
0xa7: {  	s23 =	simm.s32 $0x1B8B  }
0xa8: {  	_ =	swait.ge [sflag:s23], $0x1  }
0xa9: {  	[sflag:s23] =	ssyncset.done $0x0  }
0xaa: {  	s25 =	simm.s32 $0x1B8E;
	s24 =	sld [smem:$0x3FFE];
	[sflag:s23] =	ssyncadd.s32 $0xFFFFFFFF  }
0xab: {  	s26 =	simm.s32 $execute0_lowered;
	[smem:$0x3FD2] =	sst s25  }
0xac: {  	s5 =	sshll.u32 s26, $0x1;
	_ =	strace $0x80000046;
	[dreg:$0x1] =	wrdreg $0xFFFFFFFF  }
0xad: {  	s28 =	simm.s32 $_size_execute0_lowered;
	s3 =	sadd.s32 s3, s5;
	[dreg:$0x0] =	wrdreg $0x0  }
0xae: {  	s5 =	sshll.u32 s28, $0x1;
	[dreg:$0x2] =	wrdreg s3  }
0xaf: {  	[dreg:$0x3] =	wrdreg s5  }
0xb0: {  	[dreg:$0x4] =	wrdreg $0xC0  }
0xb1: {  	_ =	task [dreg:s7], $0x5FFFF  }
0xb2: {  	[dreg:$0x1] =	wrdreg $0xFFFFFFFF  }
0xb3: {  	[dreg:$0x0] =	wrdreg $0x60  }
0xb4: {  	[dreg:$0x2] =	wrdreg s24  }
0xb5: {  	[dreg:$0x3] =	wrdreg s16  }
0xb6: {  	[dreg:$0x4] =	wrdreg $0x9  }
0xb7: {  	_ =	task.clear_ibuf [dreg:s7], $0x5FFFF;
	_ =	strace $0x90000046  }
0xb8: {  	s29 =	simm.s32 $0x9;
	_ =	strace $0x80000048  }
0xb9: {  	_ =	swait.ge [sflag:s29], $0x1  }
0xba: {  	[sflag:s29] =	ssyncadd.s32 $0xFFFFFFFF  }
0xbb: {  	_ =	strace $0x90000048  }
0xbc: {  	_ =	sfence  }
0xbd: {  	s30 =	sld [smem:$0x0];
	_ =	sdelay $0x2  }
0xbe: {  	s31 =	sshll.u32 s1, $0xD;
	s1 =	sshrl.u32 s1, $0x2  }
0xbf: {  	s3 =	sand.u32 $0x4000, s31;
	s1 =	sadd.s32 s1, s30  }
0xc0: {  	s0 =	sor.u32 s3, s0;
	s1 =	sshll.u32 s1, $0x11  }
0xc1: {  	s0 =	sor.u32 s1, s0  }
0xc2: {  	s0 =	sadd.s32 $0x8F2B, s0  }
0xc3: {  	[sflag:s0] =	ssyncadd.remote.s32 $0x1  }
0xc4: {  	_ =	sfence.sel $0xFFFF  }
0xc5: {  	[dreg:$0x0] =	wrdreg $0xFFFFFFFF;
	(pc) =	sbr.abs _section_cstart, $3  }
0xc6: {  	[dreg:$0x1] =	wrdreg $0xFFFFFFFF  }
0xc7: {  	_ =	task.clear_ibuf [dreg:s7], $0x2FFFF;
	_ =	strace $0x9FFFFFFF  }
0xc8: {  	(tm) =	ssettm $0x7FFFFFFF  }
0xc9: {  	_ =	shalt  }
tec
execute0_lowered:
.L_overlay_start_1:
0x0: {  	(tag) =	ssettag $0x1  }
0x1: {  	s2 =	rddreg [dreg:$0x0]  }
0x2: {  	s3 =	rddreg [dreg:$0x1]  }
0x3: {  	s0 =	rddreg [dreg:$0x2];
	s1 =	srdreg.scid;
	_ =	strace $0x80000047  }
0x4: {  	s4 =	simm.s32 $0x1;
	s9 =	simm.s32 $0x3;
	s5 =	sshll.u32 s1, $0x4  }
.Ltmp0:
0x5: {  	s1 =	stileid.u32;
	s5 =	sand.u32 $0x10, s5;
	(pc) =	sbr.rel .LBB2_1-.Ltmp0, $4  }
0x6: {  	s11 =	simm.s32 $0x0;
	p0 =	por $0x0, $0x0;
	s6 =	sor.u32 s1, s5  }
0x7: {  	[sflag:s4] =	ssyncpa.u1 $0x0;
	s5 =	simm.s32 $0x2;
	s6 =	sshll.u32 s6, $0x9  }
0x8: {  	s7 =	sadd.s32 $0x271000, s2;
	[sflag:s5] =	ssyncpa.u1 $0x0;
	s8 =	sadd.s32 $0x200, s6  }
0x9: {  	vm0 =	vmmov $0xff;
	vm1 =	vcmask $0x3F20;
	[sflag:s9] =	ssyncpa.u1 $0x0;
	s10 =	smov.u32 s6;
	s9 =	simm.s32 $0x0  }
.LBB2_7:
0xa: {  	p1 =	slt.u32 s9, $0x2;
	s11 =	sadd.s32 $0x100, s10  }
0xb: {  	s13 =	smov.u32 s6;
	s9 =	sadd.s32 $0x1, s9;
	p2 =	slt.s32 s11, s8  }
0xc: {  	s13 =	smov.u32 @p2 s11;
	p2 =	sne.s32 s9, $0x4  }
.Ltmp1:
0xd: {  	_ = 	snop;
	(pc) =	sbr.rel @!p2 .LBB2_8-.Ltmp1, $4  }
0xe: {  	s12 =	simm.s32 @!p1 $0x3  }
0xf: {  	_ =	swait.ge @!p1 [sflag:s12], $0x8000  }
0x10: {  	p0 =	por !p0, !p0;
	[sflag:s12] =	ssyncset.done @!p1 $0x0  }
0x11: {  	s11 =	smov.u32 s10;
	s10 =	smov.u32 s13;
	[sflag:s12] =	ssyncadd.s32 @!p1 $0xFFFF8000  }
.LBB2_1:
0x12: {  	p1 =	sgt.u32 s9, $0x1  }
0x13: {  	s12 =	sshll.u32 @!p1 s9, $0x8;
	s13 =	sshrl.u32 @!p1 s10, $0x3  }
0x14: {  	s14 =	sand.u32 @!p1 $0x7, s10;
	s12 =	sxor.u32 @!p1 $0x100, s12;
	s13 =	sadd.s32 @!p1 s3, s13  }
0x15: {  	[tilespmem:s12], [sflag:$0x2] =	stream.linear.gather @!p1 [hbm4b:s13+s14], $0x100, $0x38;
	[tilespmem:$0x10200] =	vst v63  }
0x16: {  	p1 =	seq.s32 s9, $0x0  }
0x17: {  	p2 =	seq.s32 @!p1 s9, $0x3  }
0x18: {  	p1 =	por p1, p2  }
.Ltmp2:
0x19: {  	_ = 	snop;
	(pc) =	sbr.rel @p1 .LBB2_7-.Ltmp2, $1  }
0x1a: {  	_ =	sdelay $0x3  }
0x1b: {  	s12 =	simm.s32 $0x1  }
0x1c: {  	_ =	swait.ge [sflag:s5], $0x100;
	s12 =	simm.s32 @!p0 $0x0  }
0x1d: {  	[sflag:s5] =	ssyncset.done $0x0;
	s14 =	sshll.u32 s12, $0x8  }
0x1e: {  	[sflag:s5] =	ssyncadd.s32 $0xFFFFFF00;
	s13 =	sadd.s32 $0x0, s14  }
0x1f: {  	v0 =	vld.msk [tilespmem:s13+$0x0 ss:$0x1], $0xffff;
	_ =	sdelay $0x4  }
0x20: {  	v1 =	vand.u32 $0x7, v0;
	v2 =	vshll.u32 v0, $0x4  }
0x21: {  	vm2 =	veq.s32 v0, $0x80000000;
	v0 =	vmul.u32 $0x271000, v1;
	v1 =	vand.u32 $0x3FFF80, v2  }
0x22: {  	v1 =	vsel vm2, $0xFFFFFF80, v1  }
0x23: {  	v0 =	vsel vm2, $0xFFD8F000, v0;
	v2 =	vand.u32 $0xFFFFFC00, v1  }
0x24: {  	v1 =	vand.u32 $0x380, v1;
	v0 =	vadd.s32 v0, v2  }
0x25: {  	v0 =	vor.u32 v1, v0  }
0x26: {  	v0 =	vshrl.u32 v0, $0x3;
	_ =	sdelay $0x2  }
0x27: {  	s12 =	sshll.u32 s12, $0xF  }
0x28: {  	s12 =	sor.u32 $0x200, s12  }
0x29: {  	[tilespmem:s12], [sflag:$0x1] =	stream.indirect_vreg.gather [hbm:s2], $0x80, v0, vm0, $0x38;
	[tilespmem:$0x10200] =	vst v63  }
0x2a: {  	s15 =	sadd.s32 $0x10, s14;
	s13 =	sadd.s32 $0x400, s12  }
0x2b: {  	[tilespmem:s13], [sflag:$0x1] =	stream.indirect_vreg.gather [hbm:s2], $0x80, v0, vm1, $0x38;
	[tilespmem:$0x10200] =	vst v63  }
0x2c: {  	s16 =	simm.s32 $0x80;
	v0 =	vld.msk [tilespmem:s15+$0x0 ss:$0x1], $0xffff;
	s15 =	smov.u32 s12  }
.LBB2_3:
0x2d: {  	p1 =	sne.s32 s16, $0x3C0;
	_ =	sdelay $0x4  }
0x2e: {  	v1 =	vand.u32 $0x7, v0;
	v2 =	vshll.u32 v0, $0x4  }
0x2f: {  	vm2 =	veq.s32 v0, $0x80000000;
	v0 =	vmul.u32 $0x271000, v1;
	v1 =	vand.u32 $0x3FFF80, v2  }
0x30: {  	v1 =	vsel vm2, $0xFFFFFF80, v1  }
0x31: {  	v0 =	vsel vm2, $0xFFD8F000, v0;
	v2 =	vand.u32 $0xFFFFFC00, v1  }
0x32: {  	v1 =	vand.u32 $0x380, v1;
	v0 =	vadd.s32 v0, v2  }
0x33: {  	v0 =	vor.u32 v1, v0  }
0x34: {  	v0 =	vshrl.u32 v0, $0x3;
	_ =	sdelay $0x3  }
.Ltmp3:
0x35: {  	s17 =	sshra.s32 s16, $0x2;
	s15 =	sadd.s32 $0x800, s15;
	(pc) =	sbr.rel @p1 .LBB2_3-.Ltmp3, $4  }
0x36: {  	[tilespmem:s15], [sflag:$0x1] =	stream.indirect_vreg.gather [hbm:s2], $0x80, v0, vm0, $0x38;
	[tilespmem:$0x10200] =	vst v63  }
0x37: {  	s17 =	sadd.s32 s17, s14;
	s18 =	sadd.s32 $0x400, s15  }
0x38: {  	[tilespmem:s18], [sflag:$0x1] =	stream.indirect_vreg.gather [hbm:s2], $0x80, v0, vm1, $0x38;
	[tilespmem:$0x10200] =	vst v63  }
0x39: {  	s16 =	sadd.s32 $0x40, s16;
	v0 =	vld.msk [tilespmem:s17+$0x0 ss:$0x1], $0xffff  }
0x3a: {  	_ =	sdelay $0x3  }
0x3b: {  	v1 =	vand.u32 $0x7, v0;
	v2 =	vshll.u32 v0, $0x4  }
0x3c: {  	vm2 =	veq.s32 v0, $0x80000000;
	v61 =	vmul.u32 $0x271000, v1;
	v62 =	vand.u32 $0x3FFF80, v2  }
0x3d: {  	v1 =	vsel vm2, $0xFFFFFF80, v62  }
0x3e: {  	v0 =	vsel vm2, $0xFFD8F000, v61;
	v63 =	vand.u32 $0xFFFFFC00, v1  }
0x3f: {  	v1 =	vand.u32 $0x380, v1;
	v0 =	vadd.s32 v0, v63  }
0x40: {  	v0 =	vor.u32 v1, v0  }
0x41: {  	v0 =	vshrl.u32 v0, $0x3;
	_ =	sdelay $0x3  }
0x42: {  	s14 =	sadd.s32 $0x800, s15  }
0x43: {  	[tilespmem:s14], [sflag:$0x1] =	stream.indirect_vreg.gather [hbm:s2], $0x80, v0, vm0, $0x38;
	[tilespmem:$0x10200] =	vst v63  }
0x44: {  	s14 =	sadd.s32 $0x400, s14  }
0x45: {  	[tilespmem:s14], [sflag:$0x1] =	stream.indirect_vreg.gather [hbm:s2], $0x80, v0, vm1, $0x38;
	[tilespmem:$0x10200] =	vst v63  }
0x46: {  	s11 =	sshll.u32 s11, $0x4;
	_ =	swait.ge [sflag:s4], $0x8000  }
0x47: {  	s11 =	sadd.s32 s11, s7;
	[sflag:s4] =	ssyncset.done $0x0  }
0x48: {  	s15 =	sadd.s32 $0x0, s11;
	s14 =	simm.s32 $0x80;
	[sflag:s4] =	ssyncadd.s32 $0xFFFF8000  }
.LBB2_5:
0x49: {  	[hbm:s15] =	stream.linear.scatter [tilespmem:s12], [sflag:$0x3], $0x400, $0x38;
	[tilespmem:$0x10200] =	vst v63  }
0x4a: {  	s15 =	smov.u32 s14;
	s12 =	smov.u32 s13;
	p1 =	sne.s32 s14, $0xF80  }
.Ltmp4:
0x4b: {  	s14 =	sadd.s32 $0x80, s14;
	(pc) =	sbr.rel @p1 .LBB2_5-.Ltmp4, $2  }
0x4c: {  	_ =	sdelay $0x2  }
0x4d: {  	s13 =	sadd.s32 $0x400, s13;
	s15 =	sadd.s32 s15, s11  }
.Ltmp5:
0x4e: {  	(pc) =	sbr.rel .LBB2_7-.Ltmp5, $2  }
0x4f: {  	_ =	sdelay $0x2  }
0x50: {  	[hbm:s15] =	stream.linear.scatter [tilespmem:s12], [sflag:$0x3], $0x400, $0x38;
	[tilespmem:$0x10200] =	vst v63  }
.LBB2_8:
0x51: {  	_ =	sfence.sel $0x180000  }
0x52: {  	s2 =	simm.s32 $0x2;
	[bflag:$0x0] =	sbarrier.arrive $0xFFFF  }
0x53: {  	s30 =	simm.s32 $0x3;
	[sflag:s2] =	ssyncpa.u1 $0x1  }
0x54: {  	s31 =	simm.s32 $0x1;
	[sflag:s30] =	ssyncpa.u1 $0x1  }
0x55: {  	[sflag:s31] =	ssyncpa.u1 $0x1  }
0x56: {  	p0 =	sne.s32 s1, $0x0;
	_ =	strace $0x90000047  }
0x57: {  	s0 =	sadd.s32 @!p0 $0x100000, s0;
	[bflag:$0x2] =	sbarrier.arrive $0xFFFF  }
0x58: {  	[sflag:s0] =	ssyncadd.tile.s32 @!p0 $0x1;
	_ =	shalt  }
.Lfunc_end2:
_tile_overlayer_lowered:
.L_overlay_start_2:
0x59: {  	(tag) =	ssettag $0x2  }
0x5a: {  	s0 =	rddreg [dreg:$0x0];
	s2 =	stileid.u32  }
0x5b: {  	s1 =	rddreg [dreg:$0x1];
	p0 =	sne.s32 s2, $0x0  }
0x5c: {  	s3 =	rddreg [dreg:$0x2];
	[bflag:$0x3] =	sbarrier.arrive $0xFFFF;
	s2 =	simm.s32 @!p0 $0x1C01  }
0x5d: {  	[timem:s3], [sflag:s2] =	dma.local @!p0 [hbm:s0], s1  }
0x5e: {  	s0 =	simm.s32 @!p0 $0x1  }
0x5f: {  	_ =	swait.ge @!p0 [sflag:s0], s1  }
0x60: {  	s1 =	ssub.s32 @!p0 $0x0, s1;
	[sflag:s0] =	ssyncset.done @!p0 $0x0  }
0x61: {  	[sflag:s0] =	ssyncadd.s32 @!p0 s1  }
0x62: {  	[bflag:$0x3] =	sbarrier.arrive $0xFFFF  }
0x63: {  	_ =	shalt  }

</sc_bundles>
